<compile_context>
chip_gen: v7x
topology: tpu7x:2x2x1
jax: 0.10.2.dev20260603
libtpu: 0.0.44.dev20260713+nightly
codegen_flags: <defaults>
</compile_context>

<pallas_src>
import functools

import jax
import jax.numpy as jnp
from jax import lax
from jax.experimental import pallas as pl
from jax.experimental.pallas import tpu as pltpu
from jax.experimental.pallas import tpu_sc as plsc

N = 10000
E = 320000
D = 128
H = 128
STEPS = 4
G = 64

ROW_BLK = 1000
N_BLKS = N // ROW_BLK

NC = 2
NS = 16
NW = NC * NS
CHUNK = 128
CPT0 = 58
CPT1 = 99
CHUNKS_PER_TILE = max(CPT0, CPT1)
E_PAD = NS * (CPT0 + CPT1) * CHUNK
AGG_ROWS = 10240
ROWS_PER_TILE = AGG_ROWS // NS


def _embed_body(x_ref, win_ref, wc_ref, whht_ref, bhh_ref,
                h_ref, m_ref, gh_ref):
    h = jnp.tanh(jnp.dot(x_ref[...], win_ref[...],
                         preferred_element_type=jnp.float32))
    h_ref[...] = h
    m_ref[...] = jnp.dot(h, wc_ref[...], preferred_element_type=jnp.float32)
    gh_ref[...] = jnp.dot(h, whht_ref[...],
                          preferred_element_type=jnp.float32) + bhh_ref[...]


def _embed(x, w_in, wc0, w_hht, b_hh2):
    return pl.pallas_call(
        _embed_body,
        grid=(N_BLKS,),
        in_specs=[
            pl.BlockSpec((ROW_BLK, D), lambda i: (i, 0)),
            pl.BlockSpec((D, H), lambda i: (0, 0)),
            pl.BlockSpec((H, H), lambda i: (0, 0)),
            pl.BlockSpec((H, 3 * H), lambda i: (0, 0)),
            pl.BlockSpec((1, 3 * H), lambda i: (0, 0)),
        ],
        out_specs=[
            pl.BlockSpec((ROW_BLK, H), lambda i: (i, 0)),
            pl.BlockSpec((ROW_BLK, H), lambda i: (i, 0)),
            pl.BlockSpec((ROW_BLK, 3 * H), lambda i: (i, 0)),
        ],
        out_shape=[
            jax.ShapeDtypeStruct((N, H), jnp.float32),
            jax.ShapeDtypeStruct((N, H), jnp.float32),
            jax.ShapeDtypeStruct((N, 3 * H), jnp.float32),
        ],
    )(x, w_in, wc0, w_hht, b_hh2)


def _aggregate_body(m_hbm, src_hbm, dst_hbm, zeros_hbm, out_hbm,
                    src_v, dst_v, rows_v, agg_s, gsem, ssem):
    c = lax.axis_index("c")
    s = lax.axis_index("s")
    row0 = s * ROWS_PER_TILE
    pltpu.sync_copy(zeros_hbm.at[pl.ds(row0, ROWS_PER_TILE)],
                    agg_s.at[pl.ds(row0, ROWS_PER_TILE)])
    pltpu.sync_copy(src_hbm.at[c].at[s], src_v)
    pltpu.sync_copy(dst_hbm.at[c].at[s], dst_v)
    plsc.subcore_barrier()

    def body(t, carry):
        pltpu.async_copy(m_hbm.at[src_v.at[t]], rows_v, gsem).wait()
        pltpu.async_copy(rows_v, agg_s.at[dst_v.at[t]], ssem, add=True).wait()
        return carry

    nt = jnp.where(c == 0, CPT0, CPT1)
    lax.fori_loop(0, nt, body, 0)
    plsc.subcore_barrier()
    pltpu.sync_copy(agg_s.at[pl.ds(row0, ROWS_PER_TILE)],
                    out_hbm.at[c].at[pl.ds(row0, ROWS_PER_TILE)])


@functools.lru_cache(maxsize=1)
def _build_aggregate():
    mesh = plsc.VectorSubcoreMesh(core_axis_name="c", subcore_axis_name="s",
                                  num_cores=NC, num_subcores=NS)
    return pl.kernel(
        _aggregate_body,
        out_type=jax.ShapeDtypeStruct((2, AGG_ROWS, H), jnp.float32),
        mesh=mesh,
        scratch_types=[
            pltpu.VMEM((CHUNKS_PER_TILE, CHUNK), jnp.int32),
            pltpu.VMEM((CHUNKS_PER_TILE, CHUNK), jnp.int32),
            pltpu.VMEM((CHUNK, H), jnp.float32),
            pltpu.VMEM_SHARED((AGG_ROWS, H), jnp.float32),
            pltpu.SemaphoreType.DMA,
            pltpu.SemaphoreType.DMA,
        ],
    )


def _aggregate(m, src_slab, dst_slab, zeros):
    return _build_aggregate()(m, src_slab, dst_slab, zeros)


def _gru_math(h_ref, agg_ref, gh_ref, wiht_ref, bih_ref):
    a = agg_ref[0] + agg_ref[1]
    gi = jnp.dot(a, wiht_ref[...], preferred_element_type=jnp.float32) \
        + bih_ref[...]
    gh = gh_ref[...]
    h = h_ref[...]
    r = jax.nn.sigmoid(gi[:, :H] + gh[:, :H])
    z = jax.nn.sigmoid(gi[:, H:2 * H] + gh[:, H:2 * H])
    n = jnp.tanh(gi[:, 2 * H:] + r * gh[:, 2 * H:])
    return (1.0 - z) * n + z * h


def _gru_body(h_ref, agg_ref, gh_ref, wiht_ref, bih_ref, wc_ref, whht_ref,
              bhh_ref, hn_ref, m_ref, ghn_ref):
    h_new = _gru_math(h_ref, agg_ref, gh_ref, wiht_ref, bih_ref)
    hn_ref[...] = h_new
    m_ref[...] = jnp.dot(h_new, wc_ref[...],
                         preferred_element_type=jnp.float32)
    ghn_ref[...] = jnp.dot(h_new, whht_ref[...],
                           preferred_element_type=jnp.float32) + bhh_ref[...]


def _gru_project(h, agg, gh, w_iht, b_ih2, wc, w_hht, b_hh2):
    return pl.pallas_call(
        _gru_body,
        grid=(N_BLKS,),
        in_specs=[
            pl.BlockSpec((ROW_BLK, H), lambda i: (i, 0)),
            pl.BlockSpec((2, ROW_BLK, H), lambda i: (0, i, 0)),
            pl.BlockSpec((ROW_BLK, 3 * H), lambda i: (i, 0)),
            pl.BlockSpec((H, 3 * H), lambda i: (0, 0)),
            pl.BlockSpec((1, 3 * H), lambda i: (0, 0)),
            pl.BlockSpec((H, H), lambda i: (0, 0)),
            pl.BlockSpec((H, 3 * H), lambda i: (0, 0)),
            pl.BlockSpec((1, 3 * H), lambda i: (0, 0)),
        ],
        out_specs=[
            pl.BlockSpec((ROW_BLK, H), lambda i: (i, 0)),
            pl.BlockSpec((ROW_BLK, H), lambda i: (i, 0)),
            pl.BlockSpec((ROW_BLK, 3 * H), lambda i: (i, 0)),
        ],
        out_shape=[
            jax.ShapeDtypeStruct((N, H), jnp.float32),
            jax.ShapeDtypeStruct((N, H), jnp.float32),
            jax.ShapeDtypeStruct((N, 3 * H), jnp.float32),
        ],
    )(h, agg, gh, w_iht, b_ih2, wc, w_hht, b_hh2)


def _pool_body(h_ref, agg_ref, gh_ref, wiht_ref, bih_ref, batch_ref,
               wp_ref, bp_ref, out_ref, sums_ref, cnt_ref):
    i = pl.program_id(0)
    h_new = _gru_math(h_ref, agg_ref, gh_ref, wiht_ref, bih_ref)
    b = batch_ref[0, 0, :]
    onehot = (b[:, None] ==
              lax.broadcasted_iota(jnp.int32, (ROW_BLK, G), 1)
              ).astype(jnp.float32)

    @pl.when(i == 0)
    def _init():
        sums_ref[...] = jnp.zeros_like(sums_ref)
        cnt_ref[...] = jnp.zeros_like(cnt_ref)

    sums_ref[...] += lax.dot_general(
        onehot, h_new, (((0,), (0,)), ((), ())),
        preferred_element_type=jnp.float32)
    cnt_ref[0, :] += jnp.sum(onehot, axis=0)

    @pl.when(i == N_BLKS - 1)
    def _final():
        pooled = sums_ref[...] / jnp.maximum(cnt_ref[0, :], 1.0)[:, None]
        pooled = jnp.maximum(pooled, 0.0)
        out_ref[...] = jnp.dot(pooled, wp_ref[...],
                               preferred_element_type=jnp.float32) \
            + bp_ref[...]


def _gru_pool(h, agg, gh, w_iht, b_ih2, batch3, w_pred, b_pred2):
    return pl.pallas_call(
        _pool_body,
        grid=(N_BLKS,),
        in_specs=[
            pl.BlockSpec((ROW_BLK, H), lambda i: (i, 0)),
            pl.BlockSpec((2, ROW_BLK, H), lambda i: (0, i, 0)),
            pl.BlockSpec((ROW_BLK, 3 * H), lambda i: (i, 0)),
            pl.BlockSpec((H, 3 * H), lambda i: (0, 0)),
            pl.BlockSpec((1, 3 * H), lambda i: (0, 0)),
            pl.BlockSpec((1, 1, ROW_BLK), lambda i: (i, 0, 0)),
            pl.BlockSpec((H, 1), lambda i: (0, 0)),
            pl.BlockSpec((1, 1), lambda i: (0, 0)),
        ],
        out_specs=[pl.BlockSpec((G, 1), lambda i: (0, 0))],
        out_shape=[jax.ShapeDtypeStruct((G, 1), jnp.float32)],
        scratch_shapes=[
            pltpu.VMEM((G, H), jnp.float32),
            pltpu.VMEM((8, G), jnp.float32),
        ],
    )(h, agg, gh, w_iht, b_ih2, batch3, w_pred, b_pred2)[0]


def kernel(x, edge_index, batch, W_in, W_conv, w_ih, w_hh, b_ih, b_hh,
           W_pred, b_pred):
    src = edge_index[0]
    dst = edge_index[1]
    pad = E_PAD - E
    def _slabify(v, fill):
        vp = jnp.concatenate([v, jnp.full((pad,), fill, jnp.int32)])
        e0 = NS * CPT0 * CHUNK
        s0 = vp[:e0].reshape(NS, CPT0, CHUNK)
        s1 = vp[e0:].reshape(NS, CPT1, CHUNK)
        s0 = jnp.pad(s0, ((0, 0), (0, CHUNKS_PER_TILE - CPT0), (0, 0)),
                     constant_values=fill)
        s1 = jnp.pad(s1, ((0, 0), (0, CHUNKS_PER_TILE - CPT1), (0, 0)),
                     constant_values=fill)
        return jnp.stack([s0, s1], axis=0)

    src_slab = _slabify(src, 0)
    dst_slab = _slabify(dst, N)
    zeros = jnp.zeros((AGG_ROWS, H), jnp.float32)
    batch3 = batch.reshape(N_BLKS, 1, ROW_BLK)
    w_iht = w_ih.T
    w_hht = w_hh.T
    b_ih2 = b_ih.reshape(1, 3 * H)
    b_hh2 = b_hh.reshape(1, 3 * H)
    b_pred2 = b_pred.reshape(1, 1)

    h, m, gh = _embed(x, W_in, W_conv[0], w_hht, b_hh2)
    for i in range(STEPS):
        agg = _aggregate(m, src_slab, dst_slab, zeros)
        if i < STEPS - 1:
            h, m, gh = _gru_project(h, agg, gh, w_iht, b_ih2,
                                    W_conv[i + 1], w_hht, b_hh2)
        else:
            out = _gru_pool(h, agg, gh, w_iht, b_ih2, batch3,
                            W_pred, b_pred2)
    return out.reshape(G)

# --- scband reference (transcript-rebuilt; emitter-appended) ---
"""Pipeline reference for scband-bonding-graph-gnn-6339371729325 (READ-ONLY COPY).

The authoritative reference and input builder live on the scoring server;
editing this copy changes nothing except your own understanding.
"""

import jax, jax.numpy as jnp
import numpy as np

N_NODES = 10000
N_EDGES = 320000
D = 128
H = 128
STEPS = 4
N_GRAPHS = 64


def setup_inputs(seed: int = 0) -> dict:
    key = jax.random.key(seed)
    ks = jax.random.split(key, 12)
    x = jax.random.normal(ks[0], (N_NODES, D), dtype=jnp.float32)
    edge_index = jax.random.randint(ks[1], (2, N_EDGES), 0, N_NODES, dtype=jnp.int64 if jax.config.jax_enable_x64 else jnp.int32).astype(jnp.int32)
    batch = jnp.sort(jax.random.randint(ks[2], (N_NODES,), 0, N_GRAPHS).astype(jnp.int32))
    # atom_input: Linear(D -> H, bias=False); store as [D, H] for x @ W
    W_in = jax.random.normal(ks[3], (D, H), dtype=jnp.float32) * (1.0 / np.sqrt(D))
    # GatedGraphConv weight: [STEPS, H, H]
    W_conv = jax.random.normal(ks[4], (STEPS, H, H), dtype=jnp.float32) * (1.0 / np.sqrt(H))
    # GRUCell params (torch order: r, z, n)
    w_ih = jax.random.normal(ks[5], (3 * H, H), dtype=jnp.float32) * (1.0 / np.sqrt(H))
    w_hh = jax.random.normal(ks[6], (3 * H, H), dtype=jnp.float32) * (1.0 / np.sqrt(H))
    b_ih = jax.random.normal(ks[7], (3 * H,), dtype=jnp.float32) * (1.0 / np.sqrt(H))
    b_hh = jax.random.normal(ks[8], (3 * H,), dtype=jnp.float32) * (1.0 / np.sqrt(H))
    # prediction layer: Linear(H -> 1)
    W_pred = jax.random.normal(ks[9], (H, 1), dtype=jnp.float32) * (1.0 / np.sqrt(H))
    b_pred = jax.random.normal(ks[10], (1,), dtype=jnp.float32) * (1.0 / np.sqrt(H))
    return {"x": x, "edge_index": edge_index, "batch": batch, "W_in": W_in,
            "W_conv": W_conv, "w_ih": w_ih, "w_hh": w_hh, "b_ih": b_ih,
            "b_hh": b_hh, "W_pred": W_pred, "b_pred": b_pred}


def reference(x, edge_index, batch, W_in, W_conv, w_ih, w_hh, b_ih, b_hh, W_pred, b_pred):
    # atom_input + tanh
    h = jnp.tanh(x @ W_in)  # [N, H]  (element_embedding == atom_h, so no zero-padding needed)
    src = edge_index[0]
    dst = edge_index[1]
    # GatedGraphConv: STEPS rounds of (linear -> scatter-add over edges -> GRU update)
    for i in range(STEPS):
        m = h @ W_conv[i]  # [N, H]
        agg = jax.ops.segment_sum(jnp.take(m, src, axis=0), dst, num_segments=N_NODES)  # add aggr
        # torch GRUCell: gates in (r, z, n) order
        gi = agg @ w_ih.T + b_ih
        gh = h @ w_hh.T + b_hh
        i_r, i_z, i_n = jnp.split(gi, 3, axis=-1)
        h_r, h_z, h_n = jnp.split(gh, 3, axis=-1)
        r = jax.nn.sigmoid(i_r + h_r)
        z = jax.nn.sigmoid(i_z + h_z)
        n = jnp.tanh(i_n + r * h_n)
        h = (1.0 - z) * n + z * h
    # global_mean_pool over batch ids
    sums = jax.ops.segment_sum(h, batch, num_segments=N_GRAPHS)
    counts = jax.ops.segment_sum(jnp.ones((N_NODES,), dtype=h.dtype), batch, num_segments=N_GRAPHS)
    pooled = sums / jnp.maximum(counts, 1.0)[:, None]
    pooled = jax.nn.relu(pooled)
    out = pooled @ W_pred + b_pred  # [N_GRAPHS, 1]
    return out.squeeze(1)

if __name__ == "__main__":
    import jax
    _d = setup_inputs()
    print(jax.jit(kernel)(*tuple(_d.values())))

</pallas_src>

<mosaic_0001>
#map = affine_map<(d0, d1) -> (0, 0)>
#map1 = affine_map<(d0, d1) -> (0, 0, 0, 0)>
#map2 = affine_map<(d0, d1) -> (0, 0, 0)>
module attributes {stable_mosaic.version = 14 : i64} {
  func.func @_aggregate_body(%arg0: i32, %arg1: i32, %arg2: memref<10000x128xf32, #tpu.memory_space<hbm>>, %arg3: memref<2x16x99x128xi32, #tpu.memory_space<hbm>>, %arg4: memref<2x16x99x128xi32, #tpu.memory_space<hbm>>, %arg5: memref<10240x128xf32, #tpu.memory_space<hbm>>, %arg6: memref<2x10240x128xf32, #tpu.memory_space<hbm>>, %arg7: memref<99x128xi32, #tpu.memory_space<vmem>>, %arg8: memref<99x128xi32, #tpu.memory_space<vmem>>, %arg9: memref<128x128xf32, #tpu.memory_space<vmem>>, %arg10: memref<10240x128xf32, #tpu.memory_space<vmem_shared>>, %arg11: memref<!tpu.dma_semaphore, #tpu.memory_space<semaphore_mem>>, %arg12: memref<!tpu.dma_semaphore, #tpu.memory_space<semaphore_mem>>) attributes {dimension_semantics = [#tpu.dimension_semantics<core_parallel>, #tpu.dimension_semantics<subcore_parallel>], iteration_bounds = array<i64: 2, 16>, scalar_prefetch = 0 : i64, scratch_operands = 6 : i64, tpu.core_type = #tpu.core_type<sc_vector_subcore>, window_params = [{transform_indices = #map}, {transform_indices = #map1}, {transform_indices = #map1}, {transform_indices = #map}, {transform_indices = #map2}]} {
    %mul3A = arith.constant 640 : i32
    %mul3A_0 = arith.muli %arg1, %mul3A : i32
    "tpu.region"() ({
      %run_scoped3A = tpu.sem_alloc : memref<!tpu.dma_semaphore, #tpu.memory_space<semaphore_mem>>
      %dma_start3A = arith.constant 0 : i32
      %dma_start3A_13 = tpu.memref_slice %arg10[%mul3A_0, %dma_start3A] : memref<10240x128xf32, #tpu.memory_space<vmem_shared>> -> memref<640x128xf32, #tpu.memory_space<vmem_shared>>
      %dma_start3A_14 = arith.constant 0 : i32
      %dma_start3A_15 = tpu.memref_slice %arg5[%mul3A_0, %dma_start3A_14] : memref<10240x128xf32, #tpu.memory_space<hbm>> -> memref<640x128xf32, #tpu.memory_space<hbm>>
      tpu.enqueue_dma source(%dma_start3A_15 : memref<640x128xf32, #tpu.memory_space<hbm>>) target(%dma_start3A_13 : memref<640x128xf32, #tpu.memory_space<vmem_shared>>) target_semaphore(%run_scoped3A : memref<!tpu.dma_semaphore, #tpu.memory_space<semaphore_mem>>)
      %dma_wait3A = arith.constant 0 : i32
      %dma_wait3A_16 = tpu.memref_slice %arg10[%mul3A_0, %dma_wait3A] : memref<10240x128xf32, #tpu.memory_space<vmem_shared>> -> memref<640x128xf32, #tpu.memory_space<vmem_shared>>
      %dma_wait3A_17 = arith.constant 0 : i32
      %dma_wait3A_18 = tpu.memref_slice %arg5[%mul3A_0, %dma_wait3A_17] : memref<10240x128xf32, #tpu.memory_space<hbm>> -> memref<640x128xf32, #tpu.memory_space<hbm>>
      tpu.wait_dma2 semaphore(%run_scoped3A : memref<!tpu.dma_semaphore, #tpu.memory_space<semaphore_mem>>) src(%dma_wait3A_18 : memref<640x128xf32, #tpu.memory_space<hbm>>) dst(%dma_wait3A_16 : memref<640x128xf32, #tpu.memory_space<vmem_shared>>)
      tpu.yield
    }) : () -> ()
    "tpu.region"() ({
      %run_scoped3A = tpu.sem_alloc : memref<!tpu.dma_semaphore, #tpu.memory_space<semaphore_mem>>
      %dma_start3A = arith.constant 0 : i32
      %dma_start3A_13 = arith.constant 0 : i32
      %dma_start3A_14 = arith.constant 0 : i32
      %dma_start3A_15 = tpu.memref_slice %arg3[%arg0, %dma_start3A, %dma_start3A_13, %dma_start3A_14] : memref<2x16x99x128xi32, #tpu.memory_space<hbm>> -> memref<1x16x99x128xi32, #tpu.memory_space<hbm>>
      %dma_start3A_16 = tpu.memref_squeeze %dma_start3A_15 : memref<1x16x99x128xi32, #tpu.memory_space<hbm>> -> memref<16x99x128xi32, #tpu.memory_space<hbm>>
      %dma_start3A_17 = arith.constant 0 : i32
      %dma_start3A_18 = arith.constant 0 : i32
      %dma_start3A_19 = tpu.memref_slice %dma_start3A_16[%arg1, %dma_start3A_17, %dma_start3A_18] : memref<16x99x128xi32, #tpu.memory_space<hbm>> -> memref<1x99x128xi32, #tpu.memory_space<hbm>>
      %dma_start3A_20 = tpu.memref_squeeze %dma_start3A_19 : memref<1x99x128xi32, #tpu.memory_space<hbm>> -> memref<99x128xi32, #tpu.memory_space<hbm>>
      %dma_start3A_21 = arith.constant 0 : i32
      %dma_start3A_22 = arith.constant 0 : i32
      %dma_start3A_23 = arith.constant 0 : i32
      %dma_start3A_24 = tpu.memref_slice %arg3[%arg0, %dma_start3A_21, %dma_start3A_22, %dma_start3A_23] : memref<2x16x99x128xi32, #tpu.memory_space<hbm>> -> memref<1x16x99x128xi32, #tpu.memory_space<hbm>>
      %dma_start3A_25 = tpu.memref_squeeze %dma_start3A_24 : memref<1x16x99x128xi32, #tpu.memory_space<hbm>> -> memref<16x99x128xi32, #tpu.memory_space<hbm>>
      %dma_start3A_26 = arith.constant 0 : i32
      %dma_start3A_27 = arith.constant 0 : i32
      %dma_start3A_28 = tpu.memref_slice %dma_start3A_25[%arg1, %dma_start3A_26, %dma_start3A_27] : memref<16x99x128xi32, #tpu.memory_space<hbm>> -> memref<1x99x128xi32, #tpu.memory_space<hbm>>
      %dma_start3A_29 = tpu.memref_squeeze %dma_start3A_28 : memref<1x99x128xi32, #tpu.memory_space<hbm>> -> memref<99x128xi32, #tpu.memory_space<hbm>>
      tpu.enqueue_dma source(%dma_start3A_29 : memref<99x128xi32, #tpu.memory_space<hbm>>) target(%arg7 : memref<99x128xi32, #tpu.memory_space<vmem>>) target_semaphore(%run_scoped3A : memref<!tpu.dma_semaphore, #tpu.memory_space<semaphore_mem>>)
      %dma_wait3A = arith.constant 0 : i32
      %dma_wait3A_30 = arith.constant 0 : i32
      %dma_wait3A_31 = arith.constant 0 : i32
      %dma_wait3A_32 = tpu.memref_slice %arg3[%arg0, %dma_wait3A, %dma_wait3A_30, %dma_wait3A_31] : memref<2x16x99x128xi32, #tpu.memory_space<hbm>> -> memref<1x16x99x128xi32, #tpu.memory_space<hbm>>
      %dma_wait3A_33 = tpu.memref_squeeze %dma_wait3A_32 : memref<1x16x99x128xi32, #tpu.memory_space<hbm>> -> memref<16x99x128xi32, #tpu.memory_space<hbm>>
      %dma_wait3A_34 = arith.constant 0 : i32
      %dma_wait3A_35 = arith.constant 0 : i32
      %dma_wait3A_36 = tpu.memref_slice %dma_wait3A_33[%arg1, %dma_wait3A_34, %dma_wait3A_35] : memref<16x99x128xi32, #tpu.memory_space<hbm>> -> memref<1x99x128xi32, #tpu.memory_space<hbm>>
      %dma_wait3A_37 = tpu.memref_squeeze %dma_wait3A_36 : memref<1x99x128xi32, #tpu.memory_space<hbm>> -> memref<99x128xi32, #tpu.memory_space<hbm>>
      %dma_wait3A_38 = arith.constant 0 : i32
      %dma_wait3A_39 = arith.constant 0 : i32
      %dma_wait3A_40 = arith.constant 0 : i32
      %dma_wait3A_41 = tpu.memref_slice %arg3[%arg0, %dma_wait3A_38, %dma_wait3A_39, %dma_wait3A_40] : memref<2x16x99x128xi32, #tpu.memory_space<hbm>> -> memref<1x16x99x128xi32, #tpu.memory_space<hbm>>
      %dma_wait3A_42 = tpu.memref_squeeze %dma_wait3A_41 : memref<1x16x99x128xi32, #tpu.memory_space<hbm>> -> memref<16x99x128xi32, #tpu.memory_space<hbm>>
      %dma_wait3A_43 = arith.constant 0 : i32
      %dma_wait3A_44 = arith.constant 0 : i32
      %dma_wait3A_45 = tpu.memref_slice %dma_wait3A_42[%arg1, %dma_wait3A_43, %dma_wait3A_44] : memref<16x99x128xi32, #tpu.memory_space<hbm>> -> memref<1x99x128xi32, #tpu.memory_space<hbm>>
      %dma_wait3A_46 = tpu.memref_squeeze %dma_wait3A_45 : memref<1x99x128xi32, #tpu.memory_space<hbm>> -> memref<99x128xi32, #tpu.memory_space<hbm>>
      tpu.wait_dma2 semaphore(%run_scoped3A : memref<!tpu.dma_semaphore, #tpu.memory_space<semaphore_mem>>) src(%dma_wait3A_46 : memref<99x128xi32, #tpu.memory_space<hbm>>) dst(%arg7 : memref<99x128xi32, #tpu.memory_space<vmem>>)
      tpu.yield
    }) : () -> ()
    "tpu.region"() ({
      %run_scoped3A = tpu.sem_alloc : memref<!tpu.dma_semaphore, #tpu.memory_space<semaphore_mem>>
      %dma_start3A = arith.constant 0 : i32
      %dma_start3A_13 = arith.constant 0 : i32
      %dma_start3A_14 = arith.constant 0 : i32
      %dma_start3A_15 = tpu.memref_slice %arg4[%arg0, %dma_start3A, %dma_start3A_13, %dma_start3A_14] : memref<2x16x99x128xi32, #tpu.memory_space<hbm>> -> memref<1x16x99x128xi32, #tpu.memory_space<hbm>>
      %dma_start3A_16 = tpu.memref_squeeze %dma_start3A_15 : memref<1x16x99x128xi32, #tpu.memory_space<hbm>> -> memref<16x99x128xi32, #tpu.memory_space<hbm>>
      %dma_start3A_17 = arith.constant 0 : i32
      %dma_start3A_18 = arith.constant 0 : i32
      %dma_start3A_19 = tpu.memref_slice %dma_start3A_16[%arg1, %dma_start3A_17, %dma_start3A_18] : memref<16x99x128xi32, #tpu.memory_space<hbm>> -> memref<1x99x128xi32, #tpu.memory_space<hbm>>
      %dma_start3A_20 = tpu.memref_squeeze %dma_start3A_19 : memref<1x99x128xi32, #tpu.memory_space<hbm>> -> memref<99x128xi32, #tpu.memory_space<hbm>>
      %dma_start3A_21 = arith.constant 0 : i32
      %dma_start3A_22 = arith.constant 0 : i32
      %dma_start3A_23 = arith.constant 0 : i32
      %dma_start3A_24 = tpu.memref_slice %arg4[%arg0, %dma_start3A_21, %dma_start3A_22, %dma_start3A_23] : memref<2x16x99x128xi32, #tpu.memory_space<hbm>> -> memref<1x16x99x128xi32, #tpu.memory_space<hbm>>
      %dma_start3A_25 = tpu.memref_squeeze %dma_start3A_24 : memref<1x16x99x128xi32, #tpu.memory_space<hbm>> -> memref<16x99x128xi32, #tpu.memory_space<hbm>>
      %dma_start3A_26 = arith.constant 0 : i32
      %dma_start3A_27 = arith.constant 0 : i32
      %dma_start3A_28 = tpu.memref_slice %dma_start3A_25[%arg1, %dma_start3A_26, %dma_start3A_27] : memref<16x99x128xi32, #tpu.memory_space<hbm>> -> memref<1x99x128xi32, #tpu.memory_space<hbm>>
      %dma_start3A_29 = tpu.memref_squeeze %dma_start3A_28 : memref<1x99x128xi32, #tpu.memory_space<hbm>> -> memref<99x128xi32, #tpu.memory_space<hbm>>
      tpu.enqueue_dma source(%dma_start3A_29 : memref<99x128xi32, #tpu.memory_space<hbm>>) target(%arg8 : memref<99x128xi32, #tpu.memory_space<vmem>>) target_semaphore(%run_scoped3A : memref<!tpu.dma_semaphore, #tpu.memory_space<semaphore_mem>>)
      %dma_wait3A = arith.constant 0 : i32
      %dma_wait3A_30 = arith.constant 0 : i32
      %dma_wait3A_31 = arith.constant 0 : i32
      %dma_wait3A_32 = tpu.memref_slice %arg4[%arg0, %dma_wait3A, %dma_wait3A_30, %dma_wait3A_31] : memref<2x16x99x128xi32, #tpu.memory_space<hbm>> -> memref<1x16x99x128xi32, #tpu.memory_space<hbm>>
      %dma_wait3A_33 = tpu.memref_squeeze %dma_wait3A_32 : memref<1x16x99x128xi32, #tpu.memory_space<hbm>> -> memref<16x99x128xi32, #tpu.memory_space<hbm>>
      %dma_wait3A_34 = arith.constant 0 : i32
      %dma_wait3A_35 = arith.constant 0 : i32
      %dma_wait3A_36 = tpu.memref_slice %dma_wait3A_33[%arg1, %dma_wait3A_34, %dma_wait3A_35] : memref<16x99x128xi32, #tpu.memory_space<hbm>> -> memref<1x99x128xi32, #tpu.memory_space<hbm>>
      %dma_wait3A_37 = tpu.memref_squeeze %dma_wait3A_36 : memref<1x99x128xi32, #tpu.memory_space<hbm>> -> memref<99x128xi32, #tpu.memory_space<hbm>>
      %dma_wait3A_38 = arith.constant 0 : i32
      %dma_wait3A_39 = arith.constant 0 : i32
      %dma_wait3A_40 = arith.constant 0 : i32
      %dma_wait3A_41 = tpu.memref_slice %arg4[%arg0, %dma_wait3A_38, %dma_wait3A_39, %dma_wait3A_40] : memref<2x16x99x128xi32, #tpu.memory_space<hbm>> -> memref<1x16x99x128xi32, #tpu.memory_space<hbm>>
      %dma_wait3A_42 = tpu.memref_squeeze %dma_wait3A_41 : memref<1x16x99x128xi32, #tpu.memory_space<hbm>> -> memref<16x99x128xi32, #tpu.memory_space<hbm>>
      %dma_wait3A_43 = arith.constant 0 : i32
      %dma_wait3A_44 = arith.constant 0 : i32
      %dma_wait3A_45 = tpu.memref_slice %dma_wait3A_42[%arg1, %dma_wait3A_43, %dma_wait3A_44] : memref<16x99x128xi32, #tpu.memory_space<hbm>> -> memref<1x99x128xi32, #tpu.memory_space<hbm>>
      %dma_wait3A_46 = tpu.memref_squeeze %dma_wait3A_45 : memref<1x99x128xi32, #tpu.memory_space<hbm>> -> memref<99x128xi32, #tpu.memory_space<hbm>>
      tpu.wait_dma2 semaphore(%run_scoped3A : memref<!tpu.dma_semaphore, #tpu.memory_space<semaphore_mem>>) src(%dma_wait3A_46 : memref<99x128xi32, #tpu.memory_space<hbm>>) dst(%arg8 : memref<99x128xi32, #tpu.memory_space<vmem>>)
      tpu.yield
    }) : () -> ()
    %barrier3A = arith.constant 0 : index
    tpu.barrier barrier_id(%barrier3A)
    %eq3A = arith.constant 0 : i32
    %eq3A_1 = arith.cmpi eq, %arg0, %eq3A : i32
    %jit3A = arith.constant 58 : i32
    %jit3A_2 = arith.constant 99 : i32
    %select_n3A = arith.select %eq3A_1, %jit3A, %jit3A_2 : i32
    %while3A = arith.constant 0 : i32
    %while3A_3 = arith.constant 0 : i32
    %while3A_4 = arith.subi %select_n3A, %while3A_3 : i32
    %while3A_5 = arith.addi %while3A_3, %while3A_4 : i32
    %while3A_6 = arith.constant 1 : i32
    %while3A_7 = arith.divsi %while3A_4, %while3A_6 : i32
    %while3A_8 = arith.muli %while3A_7, %while3A_6 : i32
    %while3A_9 = arith.addi %while3A_3, %while3A_8 : i32
    %while3A_10 = arith.constant 1 : i32
    scf.for %while3A_13 = %while3A_3 to %while3A_9 step %while3A_10  : i32 {
      %dma_start3A = arith.constant 0 : i32
      %dma_start3A_14 = tpu.memref_slice %arg7[%while3A_13, %dma_start3A] : memref<99x128xi32, #tpu.memory_space<vmem>> -> memref<1x128xi32, #tpu.memory_space<vmem>>
      %dma_start3A_15 = tpu.memref_squeeze %dma_start3A_14 : memref<1x128xi32, #tpu.memory_space<vmem>> -> memref<128xi32, #tpu.memory_space<vmem>>
      %dma_start3A_16 = arith.constant 0 : i32
      %dma_start3A_17 = arith.constant 0 : i32
      %dma_start3A_18 = tpu.memref_slice %arg2[%dma_start3A_16, %dma_start3A_17] : memref<10000x128xf32, #tpu.memory_space<hbm>> -> memref<10000x128xf32, #tpu.memory_space<hbm>>
      tpu.enqueue_indirect_dma source(%dma_start3A_18 : memref<10000x128xf32, #tpu.memory_space<hbm>>) target(%arg9 : memref<128x128xf32, #tpu.memory_space<vmem>>) offsets(%dma_start3A_15 : memref<128xi32, #tpu.memory_space<vmem>>) semaphore(%arg11 : memref<!tpu.dma_semaphore, #tpu.memory_space<semaphore_mem>>)
      %dma_wait3A = arith.constant 0 : i32
      %dma_wait3A_19 = tpu.memref_slice %arg7[%while3A_13, %dma_wait3A] : memref<99x128xi32, #tpu.memory_space<vmem>> -> memref<1x128xi32, #tpu.memory_space<vmem>>
      %dma_wait3A_20 = tpu.memref_squeeze %dma_wait3A_19 : memref<1x128xi32, #tpu.memory_space<vmem>> -> memref<128xi32, #tpu.memory_space<vmem>>
      %dma_wait3A_21 = arith.constant 0 : i32
      %dma_wait3A_22 = arith.constant 0 : i32
      %dma_wait3A_23 = tpu.memref_slice %arg2[%dma_wait3A_21, %dma_wait3A_22] : memref<10000x128xf32, #tpu.memory_space<hbm>> -> memref<10000x128xf32, #tpu.memory_space<hbm>>
      tpu.wait_indirect_dma semaphore(%arg11 : memref<!tpu.dma_semaphore, #tpu.memory_space<semaphore_mem>>) src(%dma_wait3A_23 : memref<10000x128xf32, #tpu.memory_space<hbm>>) dst(%arg9 : memref<128x128xf32, #tpu.memory_space<vmem>>)
      %dma_start3A_24 = arith.constant 0 : i32
      %dma_start3A_25 = tpu.memref_slice %arg8[%while3A_13, %dma_start3A_24] : memref<99x128xi32, #tpu.memory_space<vmem>> -> memref<1x128xi32, #tpu.memory_space<vmem>>
      %dma_start3A_26 = tpu.memref_squeeze %dma_start3A_25 : memref<1x128xi32, #tpu.memory_space<vmem>> -> memref<128xi32, #tpu.memory_space<vmem>>
      %dma_start3A_27 = arith.constant 0 : i32
      %dma_start3A_28 = arith.constant 0 : i32
      %dma_start3A_29 = tpu.memref_slice %arg10[%dma_start3A_27, %dma_start3A_28] : memref<10240x128xf32, #tpu.memory_space<vmem_shared>> -> memref<10240x128xf32, #tpu.memory_space<vmem_shared>>
      tpu.enqueue_indirect_dma source(%arg9 : memref<128x128xf32, #tpu.memory_space<vmem>>) target(%dma_start3A_29 : memref<10240x128xf32, #tpu.memory_space<vmem_shared>>) offsets(%dma_start3A_26 : memref<128xi32, #tpu.memory_space<vmem>>) semaphore(%arg12 : memref<!tpu.dma_semaphore, #tpu.memory_space<semaphore_mem>>) {add = true}
      %dma_wait3A_30 = arith.constant 0 : i32
      %dma_wait3A_31 = tpu.memref_slice %arg8[%while3A_13, %dma_wait3A_30] : memref<99x128xi32, #tpu.memory_space<vmem>> -> memref<1x128xi32, #tpu.memory_space<vmem>>
      %dma_wait3A_32 = tpu.memref_squeeze %dma_wait3A_31 : memref<1x128xi32, #tpu.memory_space<vmem>> -> memref<128xi32, #tpu.memory_space<vmem>>
      %dma_wait3A_33 = arith.constant 0 : i32
      %dma_wait3A_34 = arith.constant 0 : i32
      %dma_wait3A_35 = tpu.memref_slice %arg10[%dma_wait3A_33, %dma_wait3A_34] : memref<10240x128xf32, #tpu.memory_space<vmem_shared>> -> memref<10240x128xf32, #tpu.memory_space<vmem_shared>>
      tpu.wait_indirect_dma semaphore(%arg12 : memref<!tpu.dma_semaphore, #tpu.memory_space<semaphore_mem>>) src(%arg9 : memref<128x128xf32, #tpu.memory_space<vmem>>) dst(%dma_wait3A_35 : memref<10240x128xf32, #tpu.memory_space<vmem_shared>>)
    }
    %while3A_11 = arith.constant 1 : i32
    scf.for %while3A_13 = %while3A_9 to %while3A_5 step %while3A_11  : i32 {
      %dma_start3A = arith.constant 0 : i32
      %dma_start3A_14 = tpu.memref_slice %arg7[%while3A_13, %dma_start3A] : memref<99x128xi32, #tpu.memory_space<vmem>> -> memref<1x128xi32, #tpu.memory_space<vmem>>
      %dma_start3A_15 = tpu.memref_squeeze %dma_start3A_14 : memref<1x128xi32, #tpu.memory_space<vmem>> -> memref<128xi32, #tpu.memory_space<vmem>>
      %dma_start3A_16 = arith.constant 0 : i32
      %dma_start3A_17 = arith.constant 0 : i32
      %dma_start3A_18 = tpu.memref_slice %arg2[%dma_start3A_16, %dma_start3A_17] : memref<10000x128xf32, #tpu.memory_space<hbm>> -> memref<10000x128xf32, #tpu.memory_space<hbm>>
      tpu.enqueue_indirect_dma source(%dma_start3A_18 : memref<10000x128xf32, #tpu.memory_space<hbm>>) target(%arg9 : memref<128x128xf32, #tpu.memory_space<vmem>>) offsets(%dma_start3A_15 : memref<128xi32, #tpu.memory_space<vmem>>) semaphore(%arg11 : memref<!tpu.dma_semaphore, #tpu.memory_space<semaphore_mem>>)
      %dma_wait3A = arith.constant 0 : i32
      %dma_wait3A_19 = tpu.memref_slice %arg7[%while3A_13, %dma_wait3A] : memref<99x128xi32, #tpu.memory_space<vmem>> -> memref<1x128xi32, #tpu.memory_space<vmem>>
      %dma_wait3A_20 = tpu.memref_squeeze %dma_wait3A_19 : memref<1x128xi32, #tpu.memory_space<vmem>> -> memref<128xi32, #tpu.memory_space<vmem>>
      %dma_wait3A_21 = arith.constant 0 : i32
      %dma_wait3A_22 = arith.constant 0 : i32
      %dma_wait3A_23 = tpu.memref_slice %arg2[%dma_wait3A_21, %dma_wait3A_22] : memref<10000x128xf32, #tpu.memory_space<hbm>> -> memref<10000x128xf32, #tpu.memory_space<hbm>>
      tpu.wait_indirect_dma semaphore(%arg11 : memref<!tpu.dma_semaphore, #tpu.memory_space<semaphore_mem>>) src(%dma_wait3A_23 : memref<10000x128xf32, #tpu.memory_space<hbm>>) dst(%arg9 : memref<128x128xf32, #tpu.memory_space<vmem>>)
      %dma_start3A_24 = arith.constant 0 : i32
      %dma_start3A_25 = tpu.memref_slice %arg8[%while3A_13, %dma_start3A_24] : memref<99x128xi32, #tpu.memory_space<vmem>> -> memref<1x128xi32, #tpu.memory_space<vmem>>
      %dma_start3A_26 = tpu.memref_squeeze %dma_start3A_25 : memref<1x128xi32, #tpu.memory_space<vmem>> -> memref<128xi32, #tpu.memory_space<vmem>>
      %dma_start3A_27 = arith.constant 0 : i32
      %dma_start3A_28 = arith.constant 0 : i32
      %dma_start3A_29 = tpu.memref_slice %arg10[%dma_start3A_27, %dma_start3A_28] : memref<10240x128xf32, #tpu.memory_space<vmem_shared>> -> memref<10240x128xf32, #tpu.memory_space<vmem_shared>>
      tpu.enqueue_indirect_dma source(%arg9 : memref<128x128xf32, #tpu.memory_space<vmem>>) target(%dma_start3A_29 : memref<10240x128xf32, #tpu.memory_space<vmem_shared>>) offsets(%dma_start3A_26 : memref<128xi32, #tpu.memory_space<vmem>>) semaphore(%arg12 : memref<!tpu.dma_semaphore, #tpu.memory_space<semaphore_mem>>) {add = true}
      %dma_wait3A_30 = arith.constant 0 : i32
      %dma_wait3A_31 = tpu.memref_slice %arg8[%while3A_13, %dma_wait3A_30] : memref<99x128xi32, #tpu.memory_space<vmem>> -> memref<1x128xi32, #tpu.memory_space<vmem>>
      %dma_wait3A_32 = tpu.memref_squeeze %dma_wait3A_31 : memref<1x128xi32, #tpu.memory_space<vmem>> -> memref<128xi32, #tpu.memory_space<vmem>>
      %dma_wait3A_33 = arith.constant 0 : i32
      %dma_wait3A_34 = arith.constant 0 : i32
      %dma_wait3A_35 = tpu.memref_slice %arg10[%dma_wait3A_33, %dma_wait3A_34] : memref<10240x128xf32, #tpu.memory_space<vmem_shared>> -> memref<10240x128xf32, #tpu.memory_space<vmem_shared>>
      tpu.wait_indirect_dma semaphore(%arg12 : memref<!tpu.dma_semaphore, #tpu.memory_space<semaphore_mem>>) src(%arg9 : memref<128x128xf32, #tpu.memory_space<vmem>>) dst(%dma_wait3A_35 : memref<10240x128xf32, #tpu.memory_space<vmem_shared>>)
    }
    %barrier3A_12 = arith.constant 0 : index
    tpu.barrier barrier_id(%barrier3A_12)
    "tpu.region"() ({
      %run_scoped3A = tpu.sem_alloc : memref<!tpu.dma_semaphore, #tpu.memory_space<semaphore_mem>>
      %dma_start3A = arith.constant 0 : i32
      %dma_start3A_13 = arith.constant 0 : i32
      %dma_start3A_14 = tpu.memref_slice %arg6[%arg0, %dma_start3A, %dma_start3A_13] : memref<2x10240x128xf32, #tpu.memory_space<hbm>> -> memref<1x10240x128xf32, #tpu.memory_space<hbm>>
      %dma_start3A_15 = tpu.memref_squeeze %dma_start3A_14 : memref<1x10240x128xf32, #tpu.memory_space<hbm>> -> memref<10240x128xf32, #tpu.memory_space<hbm>>
      %dma_start3A_16 = arith.constant 0 : i32
      %dma_start3A_17 = tpu.memref_slice %dma_start3A_15[%mul3A_0, %dma_start3A_16] : memref<10240x128xf32, #tpu.memory_space<hbm>> -> memref<640x128xf32, #tpu.memory_space<hbm>>
      %dma_start3A_18 = arith.constant 0 : i32
      %dma_start3A_19 = tpu.memref_slice %arg10[%mul3A_0, %dma_start3A_18] : memref<10240x128xf32, #tpu.memory_space<vmem_shared>> -> memref<640x128xf32, #tpu.memory_space<vmem_shared>>
      tpu.enqueue_dma source(%dma_start3A_19 : memref<640x128xf32, #tpu.memory_space<vmem_shared>>) target(%dma_start3A_17 : memref<640x128xf32, #tpu.memory_space<hbm>>) target_semaphore(%run_scoped3A : memref<!tpu.dma_semaphore, #tpu.memory_space<semaphore_mem>>)
      %dma_wait3A = arith.constant 0 : i32
      %dma_wait3A_20 = arith.constant 0 : i32
      %dma_wait3A_21 = tpu.memref_slice %arg6[%arg0, %dma_wait3A, %dma_wait3A_20] : memref<2x10240x128xf32, #tpu.memory_space<hbm>> -> memref<1x10240x128xf32, #tpu.memory_space<hbm>>
      %dma_wait3A_22 = tpu.memref_squeeze %dma_wait3A_21 : memref<1x10240x128xf32, #tpu.memory_space<hbm>> -> memref<10240x128xf32, #tpu.memory_space<hbm>>
      %dma_wait3A_23 = arith.constant 0 : i32
      %dma_wait3A_24 = tpu.memref_slice %dma_wait3A_22[%mul3A_0, %dma_wait3A_23] : memref<10240x128xf32, #tpu.memory_space<hbm>> -> memref<640x128xf32, #tpu.memory_space<hbm>>
      %dma_wait3A_25 = arith.constant 0 : i32
      %dma_wait3A_26 = tpu.memref_slice %arg10[%mul3A_0, %dma_wait3A_25] : memref<10240x128xf32, #tpu.memory_space<vmem_shared>> -> memref<640x128xf32, #tpu.memory_space<vmem_shared>>
      tpu.wait_dma2 semaphore(%run_scoped3A : memref<!tpu.dma_semaphore, #tpu.memory_space<semaphore_mem>>) src(%dma_wait3A_26 : memref<640x128xf32, #tpu.memory_space<vmem_shared>>) dst(%dma_wait3A_24 : memref<640x128xf32, #tpu.memory_space<hbm>>)
      tpu.yield
    }) : () -> ()
    return
  }
}

#map = affine_map<(d0, d1) -> (0, 0)>
#map1 = affine_map<(d0, d1) -> (0, 0, 0, 0)>
#map2 = affine_map<(d0, d1) -> (0, 0, 0)>
module attributes {stable_mosaic.version = 14 : i64} {
  func.func @_aggregate_body(%arg0: i32, %arg1: i32, %arg2: memref<10000x128xf32, #tpu.memory_space<hbm>>, %arg3: memref<2x16x99x128xi32, #tpu.memory_space<hbm>>, %arg4: memref<2x16x99x128xi32, #tpu.memory_space<hbm>>, %arg5: memref<10240x128xf32, #tpu.memory_space<hbm>>, %arg6: memref<2x10240x128xf32, #tpu.memory_space<hbm>>, %arg7: memref<99x128xi32, #tpu.memory_space<vmem>>, %arg8: memref<99x128xi32, #tpu.memory_space<vmem>>, %arg9: memref<128x128xf32, #tpu.memory_space<vmem>>, %arg10: memref<10240x128xf32, #tpu.memory_space<vmem_shared>>, %arg11: memref<!tpu.dma_semaphore, #tpu.memory_space<semaphore_mem>>, %arg12: memref<!tpu.dma_semaphore, #tpu.memory_space<semaphore_mem>>) attributes {dimension_semantics = [#tpu.dimension_semantics<core_parallel>, #tpu.dimension_semantics<subcore_parallel>], iteration_bounds = array<i64: 2, 16>, scalar_prefetch = 0 : i64, scratch_operands = 6 : i64, tpu.core_type = #tpu.core_type<sc_vector_subcore>, window_params = [{transform_indices = #map}, {transform_indices = #map1}, {transform_indices = #map1}, {transform_indices = #map}, {transform_indices = #map2}]} {
    %mul3A = arith.constant 640 : i32
    %mul3A_0 = arith.muli %arg1, %mul3A : i32
    "tpu.region"() ({
      %run_scoped3A = tpu.sem_alloc : memref<!tpu.dma_semaphore, #tpu.memory_space<semaphore_mem>>
      %dma_start3A = arith.constant 0 : i32
      %dma_start3A_13 = tpu.memref_slice %arg10[%mul3A_0, %dma_start3A] : memref<10240x128xf32, #tpu.memory_space<vmem_shared>> -> memref<640x128xf32, #tpu.memory_space<vmem_shared>>
      %dma_start3A_14 = arith.constant 0 : i32
      %dma_start3A_15 = tpu.memref_slice %arg5[%mul3A_0, %dma_start3A_14] : memref<10240x128xf32, #tpu.memory_space<hbm>> -> memref<640x128xf32, #tpu.memory_space<hbm>>
      tpu.enqueue_dma source(%dma_start3A_15 : memref<640x128xf32, #tpu.memory_space<hbm>>) target(%dma_start3A_13 : memref<640x128xf32, #tpu.memory_space<vmem_shared>>) target_semaphore(%run_scoped3A : memref<!tpu.dma_semaphore, #tpu.memory_space<semaphore_mem>>)
      %dma_wait3A = arith.constant 0 : i32
      %dma_wait3A_16 = tpu.memref_slice %arg10[%mul3A_0, %dma_wait3A] : memref<10240x128xf32, #tpu.memory_space<vmem_shared>> -> memref<640x128xf32, #tpu.memory_space<vmem_shared>>
      %dma_wait3A_17 = arith.constant 0 : i32
      %dma_wait3A_18 = tpu.memref_slice %arg5[%mul3A_0, %dma_wait3A_17] : memref<10240x128xf32, #tpu.memory_space<hbm>> -> memref<640x128xf32, #tpu.memory_space<hbm>>
      tpu.wait_dma2 semaphore(%run_scoped3A : memref<!tpu.dma_semaphore, #tpu.memory_space<semaphore_mem>>) src(%dma_wait3A_18 : memref<640x128xf32, #tpu.memory_space<hbm>>) dst(%dma_wait3A_16 : memref<640x128xf32, #tpu.memory_space<vmem_shared>>)
      tpu.yield
    }) : () -> ()
    "tpu.region"() ({
      %run_scoped3A = tpu.sem_alloc : memref<!tpu.dma_semaphore, #tpu.memory_space<semaphore_mem>>
      %dma_start3A = arith.constant 0 : i32
      %dma_start3A_13 = arith.constant 0 : i32
      %dma_start3A_14 = arith.constant 0 : i32
      %dma_start3A_15 = tpu.memref_slice %arg3[%arg0, %dma_start3A, %dma_start3A_13, %dma_start3A_14] : memref<2x16x99x128xi32, #tpu.memory_space<hbm>> -> memref<1x16x99x128xi32, #tpu.memory_space<hbm>>
      %dma_start3A_16 = tpu.memref_squeeze %dma_start3A_15 : memref<1x16x99x128xi32, #tpu.memory_space<hbm>> -> memref<16x99x128xi32, #tpu.memory_space<hbm>>
      %dma_start3A_17 = arith.constant 0 : i32
      %dma_start3A_18 = arith.constant 0 : i32
      %dma_start3A_19 = tpu.memref_slice %dma_start3A_16[%arg1, %dma_start3A_17, %dma_start3A_18] : memref<16x99x128xi32, #tpu.memory_space<hbm>> -> memref<1x99x128xi32, #tpu.memory_space<hbm>>
      %dma_start3A_20 = tpu.memref_squeeze %dma_start3A_19 : memref<1x99x128xi32, #tpu.memory_space<hbm>> -> memref<99x128xi32, #tpu.memory_space<hbm>>
      %dma_start3A_21 = arith.constant 0 : i32
      %dma_start3A_22 = arith.constant 0 : i32
      %dma_start3A_23 = arith.constant 0 : i32
      %dma_start3A_24 = tpu.memref_slice %arg3[%arg0, %dma_start3A_21, %dma_start3A_22, %dma_start3A_23] : memref<2x16x99x128xi32, #tpu.memory_space<hbm>> -> memref<1x16x99x128xi32, #tpu.memory_space<hbm>>
      %dma_start3A_25 = tpu.memref_squeeze %dma_start3A_24 : memref<1x16x99x128xi32, #tpu.memory_space<hbm>> -> memref<16x99x128xi32, #tpu.memory_space<hbm>>
      %dma_start3A_26 = arith.constant 0 : i32
      %dma_start3A_27 = arith.constant 0 : i32
      %dma_start3A_28 = tpu.memref_slice %dma_start3A_25[%arg1, %dma_start3A_26, %dma_start3A_27] : memref<16x99x128xi32, #tpu.memory_space<hbm>> -> memref<1x99x128xi32, #tpu.memory_space<hbm>>
      %dma_start3A_29 = tpu.memref_squeeze %dma_start3A_28 : memref<1x99x128xi32, #tpu.memory_space<hbm>> -> memref<99x128xi32, #tpu.memory_space<hbm>>
      tpu.enqueue_dma source(%dma_start3A_29 : memref<99x128xi32, #tpu.memory_space<hbm>>) target(%arg7 : memref<99x128xi32, #tpu.memory_space<vmem>>) target_semaphore(%run_scoped3A : memref<!tpu.dma_semaphore, #tpu.memory_space<semaphore_mem>>)
      %dma_wait3A = arith.constant 0 : i32
      %dma_wait3A_30 = arith.constant 0 : i32
      %dma_wait3A_31 = arith.constant 0 : i32
      %dma_wait3A_32 = tpu.memref_slice %arg3[%arg0, %dma_wait3A, %dma_wait3A_30, %dma_wait3A_31] : memref<2x16x99x128xi32, #tpu.memory_space<hbm>> -> memref<1x16x99x128xi32, #tpu.memory_space<hbm>>
      %dma_wait3A_33 = tpu.memref_squeeze %dma_wait3A_32 : memref<1x16x99x128xi32, #tpu.memory_space<hbm>> -> memref<16x99x128xi32, #tpu.memory_space<hbm>>
      %dma_wait3A_34 = arith.constant 0 : i32
      %dma_wait3A_35 = arith.constant 0 : i32
      %dma_wait3A_36 = tpu.memref_slice %dma_wait3A_33[%arg1, %dma_wait3A_34, %dma_wait3A_35] : memref<16x99x128xi32, #tpu.memory_space<hbm>> -> memref<1x99x128xi32, #tpu.memory_space<hbm>>
      %dma_wait3A_37 = tpu.memref_squeeze %dma_wait3A_36 : memref<1x99x128xi32, #tpu.memory_space<hbm>> -> memref<99x128xi32, #tpu.memory_space<hbm>>
      %dma_wait3A_38 = arith.constant 0 : i32
      %dma_wait3A_39 = arith.constant 0 : i32
      %dma_wait3A_40 = arith.constant 0 : i32
      %dma_wait3A_41 = tpu.memref_slice %arg3[%arg0, %dma_wait3A_38, %dma_wait3A_39, %dma_wait3A_40] : memref<2x16x99x128xi32, #tpu.memory_space<hbm>> -> memref<1x16x99x128xi32, #tpu.memory_space<hbm>>
      %dma_wait3A_42 = tpu.memref_squeeze %dma_wait3A_41 : memref<1x16x99x128xi32, #tpu.memory_space<hbm>> -> memref<16x99x128xi32, #tpu.memory_space<hbm>>
      %dma_wait3A_43 = arith.constant 0 : i32
      %dma_wait3A_44 = arith.constant 0 : i32
      %dma_wait3A_45 = tpu.memref_slice %dma_wait3A_42[%arg1, %dma_wait3A_43, %dma_wait3A_44] : memref<16x99x128xi32, #tpu.memory_space<hbm>> -> memref<1x99x128xi32, #tpu.memory_space<hbm>>
      %dma_wait3A_46 = tpu.memref_squeeze %dma_wait3A_45 : memref<1x99x128xi32, #tpu.memory_space<hbm>> -> memref<99x128xi32, #tpu.memory_space<hbm>>
      tpu.wait_dma2 semaphore(%run_scoped3A : memref<!tpu.dma_semaphore, #tpu.memory_space<semaphore_mem>>) src(%dma_wait3A_46 : memref<99x128xi32, #tpu.memory_space<hbm>>) dst(%arg7 : memref<99x128xi32, #tpu.memory_space<vmem>>)
      tpu.yield
    }) : () -> ()
    "tpu.region"() ({
      %run_scoped3A = tpu.sem_alloc : memref<!tpu.dma_semaphore, #tpu.memory_space<semaphore_mem>>
      %dma_start3A = arith.constant 0 : i32
      %dma_start3A_13 = arith.constant 0 : i32
      %dma_start3A_14 = arith.constant 0 : i32
      %dma_start3A_15 = tpu.memref_slice %arg4[%arg0, %dma_start3A, %dma_start3A_13, %dma_start3A_14] : memref<2x16x99x128xi32, #tpu.memory_space<hbm>> -> memref<1x16x99x128xi32, #tpu.memory_space<hbm>>
      %dma_start3A_16 = tpu.memref_squeeze %dma_start3A_15 : memref<1x16x99x128xi32, #tpu.memory_space<hbm>> -> memref<16x99x128xi32, #tpu.memory_space<hbm>>
      %dma_start3A_17 = arith.constant 0 : i32
      %dma_start3A_18 = arith.constant 0 : i32
      %dma_start3A_19 = tpu.memref_slice %dma_start3A_16[%arg1, %dma_start3A_17, %dma_start3A_18] : memref<16x99x128xi32, #tpu.memory_space<hbm>> -> memref<1x99x128xi32, #tpu.memory_space<hbm>>
      %dma_start3A_20 = tpu.memref_squeeze %dma_start3A_19 : memref<1x99x128xi32, #tpu.memory_space<hbm>> -> memref<99x128xi32, #tpu.memory_space<hbm>>
      %dma_start3A_21 = arith.constant 0 : i32
      %dma_start3A_22 = arith.constant 0 : i32
      %dma_start3A_23 = arith.constant 0 : i32
      %dma_start3A_24 = tpu.memref_slice %arg4[%arg0, %dma_start3A_21, %dma_start3A_22, %dma_start3A_23] : memref<2x16x99x128xi32, #tpu.memory_space<hbm>> -> memref<1x16x99x128xi32, #tpu.memory_space<hbm>>
      %dma_start3A_25 = tpu.memref_squeeze %dma_start3A_24 : memref<1x16x99x128xi32, #tpu.memory_space<hbm>> -> memref<16x99x128xi32, #tpu.memory_space<hbm>>
      %dma_start3A_26 = arith.constant 0 : i32
      %dma_start3A_27 = arith.constant 0 : i32
      %dma_start3A_28 = tpu.memref_slice %dma_start3A_25[%arg1, %dma_start3A_26, %dma_start3A_27] : memref<16x99x128xi32, #tpu.memory_space<hbm>> -> memref<1x99x128xi32, #tpu.memory_space<hbm>>
      %dma_start3A_29 = tpu.memref_squeeze %dma_start3A_28 : memref<1x99x128xi32, #tpu.memory_space<hbm>> -> memref<99x128xi32, #tpu.memory_space<hbm>>
      tpu.enqueue_dma source(%dma_start3A_29 : memref<99x128xi32, #tpu.memory_space<hbm>>) target(%arg8 : memref<99x128xi32, #tpu.memory_space<vmem>>) target_semaphore(%run_scoped3A : memref<!tpu.dma_semaphore, #tpu.memory_space<semaphore_mem>>)
      %dma_wait3A = arith.constant 0 : i32
      %dma_wait3A_30 = arith.constant 0 : i32
      %dma_wait3A_31 = arith.constant 0 : i32
      %dma_wait3A_32 = tpu.memref_slice %arg4[%arg0, %dma_wait3A, %dma_wait3A_30, %dma_wait3A_31] : memref<2x16x99x128xi32, #tpu.memory_space<hbm>> -> memref<1x16x99x128xi32, #tpu.memory_space<hbm>>
      %dma_wait3A_33 = tpu.memref_squeeze %dma_wait3A_32 : memref<1x16x99x128xi32, #tpu.memory_space<hbm>> -> memref<16x99x128xi32, #tpu.memory_space<hbm>>
      %dma_wait3A_34 = arith.constant 0 : i32
      %dma_wait3A_35 = arith.constant 0 : i32
      %dma_wait3A_36 = tpu.memref_slice %dma_wait3A_33[%arg1, %dma_wait3A_34, %dma_wait3A_35] : memref<16x99x128xi32, #tpu.memory_space<hbm>> -> memref<1x99x128xi32, #tpu.memory_space<hbm>>
      %dma_wait3A_37 = tpu.memref_squeeze %dma_wait3A_36 : memref<1x99x128xi32, #tpu.memory_space<hbm>> -> memref<99x128xi32, #tpu.memory_space<hbm>>
      %dma_wait3A_38 = arith.constant 0 : i32
      %dma_wait3A_39 = arith.constant 0 : i32
      %dma_wait3A_40 = arith.constant 0 : i32
      %dma_wait3A_41 = tpu.memref_slice %arg4[%arg0, %dma_wait3A_38, %dma_wait3A_39, %dma_wait3A_40] : memref<2x16x99x128xi32, #tpu.memory_space<hbm>> -> memref<1x16x99x128xi32, #tpu.memory_space<hbm>>
      %dma_wait3A_42 = tpu.memref_squeeze %dma_wait3A_41 : memref<1x16x99x128xi32, #tpu.memory_space<hbm>> -> memref<16x99x128xi32, #tpu.memory_space<hbm>>
      %dma_wait3A_43 = arith.constant 0 : i32
      %dma_wait3A_44 = arith.constant 0 : i32
      %dma_wait3A_45 = tpu.memref_slice %dma_wait3A_42[%arg1, %dma_wait3A_43, %dma_wait3A_44] : memref<16x99x128xi32, #tpu.memory_space<hbm>> -> memref<1x99x128xi32, #tpu.memory_space<hbm>>
      %dma_wait3A_46 = tpu.memref_squeeze %dma_wait3A_45 : memref<1x99x128xi32, #tpu.memory_space<hbm>> -> memref<99x128xi32, #tpu.memory_space<hbm>>
      tpu.wait_dma2 semaphore(%run_scoped3A : memref<!tpu.dma_semaphore, #tpu.memory_space<semaphore_mem>>) src(%dma_wait3A_46 : memref<99x128xi32, #tpu.memory_space<hbm>>) dst(%arg8 : memref<99x128xi32, #tpu.memory_space<vmem>>)
      tpu.yield
    }) : () -> ()
    %barrier3A = arith.constant 0 : index
    tpu.barrier barrier_id(%barrier3A)
    %eq3A = arith.constant 0 : i32
    %eq3A_1 = arith.cmpi eq, %arg0, %eq3A : i32
    %jit3A = arith.constant 58 : i32
    %jit3A_2 = arith.constant 99 : i32
    %select_n3A = arith.select %eq3A_1, %jit3A, %jit3A_2 : i32
    %while3A = arith.constant 0 : i32
    %while3A_3 = arith.constant 0 : i32
    %while3A_4 = arith.subi %select_n3A, %while3A_3 : i32
    %while3A_5 = arith.addi %while3A_3, %while3A_4 : i32
    %while3A_6 = arith.constant 1 : i32
    %while3A_7 = arith.divsi %while3A_4, %while3A_6 : i32
    %while3A_8 = arith.muli %while3A_7, %while3A_6 : i32
    %while3A_9 = arith.addi %while3A_3, %while3A_8 : i32
    %while3A_10 = arith.constant 1 : i32
    scf.for %while3A_13 = %while3A_3 to %while3A_9 step %while3A_10  : i32 {
      %dma_start3A = arith.constant 0 : i32
      %dma_start3A_14 = tpu.memref_slice %arg7[%while3A_13, %dma_start3A] : memref<99x128xi32, #tpu.memory_space<vmem>> -> memref<1x128xi32, #tpu.memory_space<vmem>>
      %dma_start3A_15 = tpu.memref_squeeze %dma_start3A_14 : memref<1x128xi32, #tpu.memory_space<vmem>> -> memref<128xi32, #tpu.memory_space<vmem>>
      %dma_start3A_16 = arith.constant 0 : i32
      %dma_start3A_17 = arith.constant 0 : i32
      %dma_start3A_18 = tpu.memref_slice %arg2[%dma_start3A_16, %dma_start3A_17] : memref<10000x128xf32, #tpu.memory_space<hbm>> -> memref<10000x128xf32, #tpu.memory_space<hbm>>
      tpu.enqueue_indirect_dma source(%dma_start3A_18 : memref<10000x128xf32, #tpu.memory_space<hbm>>) target(%arg9 : memref<128x128xf32, #tpu.memory_space<vmem>>) offsets(%dma_start3A_15 : memref<128xi32, #tpu.memory_space<vmem>>) semaphore(%arg11 : memref<!tpu.dma_semaphore, #tpu.memory_space<semaphore_mem>>)
      %dma_wait3A = arith.constant 0 : i32
      %dma_wait3A_19 = tpu.memref_slice %arg7[%while3A_13, %dma_wait3A] : memref<99x128xi32, #tpu.memory_space<vmem>> -> memref<1x128xi32, #tpu.memory_space<vmem>>
      %dma_wait3A_20 = tpu.memref_squeeze %dma_wait3A_19 : memref<1x128xi32, #tpu.memory_space<vmem>> -> memref<128xi32, #tpu.memory_space<vmem>>
      %dma_wait3A_21 = arith.constant 0 : i32
      %dma_wait3A_22 = arith.constant 0 : i32
      %dma_wait3A_23 = tpu.memref_slice %arg2[%dma_wait3A_21, %dma_wait3A_22] : memref<10000x128xf32, #tpu.memory_space<hbm>> -> memref<10000x128xf32, #tpu.memory_space<hbm>>
      tpu.wait_indirect_dma semaphore(%arg11 : memref<!tpu.dma_semaphore, #tpu.memory_space<semaphore_mem>>) src(%dma_wait3A_23 : memref<10000x128xf32, #tpu.memory_space<hbm>>) dst(%arg9 : memref<128x128xf32, #tpu.memory_space<vmem>>)
      %dma_start3A_24 = arith.constant 0 : i32
      %dma_start3A_25 = tpu.memref_slice %arg8[%while3A_13, %dma_start3A_24] : memref<99x128xi32, #tpu.memory_space<vmem>> -> memref<1x128xi32, #tpu.memory_space<vmem>>
      %dma_start3A_26 = tpu.memref_squeeze %dma_start3A_25 : memref<1x128xi32, #tpu.memory_space<vmem>> -> memref<128xi32, #tpu.memory_space<vmem>>
      %dma_start3A_27 = arith.constant 0 : i32
      %dma_start3A_28 = arith.constant 0 : i32
      %dma_start3A_29 = tpu.memref_slice %arg10[%dma_start3A_27, %dma_start3A_28] : memref<10240x128xf32, #tpu.memory_space<vmem_shared>> -> memref<10240x128xf32, #tpu.memory_space<vmem_shared>>
      tpu.enqueue_indirect_dma source(%arg9 : memref<128x128xf32, #tpu.memory_space<vmem>>) target(%dma_start3A_29 : memref<10240x128xf32, #tpu.memory_space<vmem_shared>>) offsets(%dma_start3A_26 : memref<128xi32, #tpu.memory_space<vmem>>) semaphore(%arg12 : memref<!tpu.dma_semaphore, #tpu.memory_space<semaphore_mem>>) {add = true}
      %dma_wait3A_30 = arith.constant 0 : i32
      %dma_wait3A_31 = tpu.memref_slice %arg8[%while3A_13, %dma_wait3A_30] : memref<99x128xi32, #tpu.memory_space<vmem>> -> memref<1x128xi32, #tpu.memory_space<vmem>>
      %dma_wait3A_32 = tpu.memref_squeeze %dma_wait3A_31 : memref<1x128xi32, #tpu.memory_space<vmem>> -> memref<128xi32, #tpu.memory_space<vmem>>
      %dma_wait3A_33 = arith.constant 0 : i32
      %dma_wait3A_34 = arith.constant 0 : i32
      %dma_wait3A_35 = tpu.memref_slice %arg10[%dma_wait3A_33, %dma_wait3A_34] : memref<10240x128xf32, #tpu.memory_space<vmem_shared>> -> memref<10240x128xf32, #tpu.memory_space<vmem_shared>>
      tpu.wait_indirect_dma semaphore(%arg12 : memref<!tpu.dma_semaphore, #tpu.memory_space<semaphore_mem>>) src(%arg9 : memref<128x128xf32, #tpu.memory_space<vmem>>) dst(%dma_wait3A_35 : memref<10240x128xf32, #tpu.memory_space<vmem_shared>>)
    }
    %while3A_11 = arith.constant 1 : i32
    scf.for %while3A_13 = %while3A_9 to %while3A_5 step %while3A_11  : i32 {
      %dma_start3A = arith.constant 0 : i32
      %dma_start3A_14 = tpu.memref_slice %arg7[%while3A_13, %dma_start3A] : memref<99x128xi32, #tpu.memory_space<vmem>> -> memref<1x128xi32, #tpu.memory_space<vmem>>
      %dma_start3A_15 = tpu.memref_squeeze %dma_start3A_14 : memref<1x128xi32, #tpu.memory_space<vmem>> -> memref<128xi32, #tpu.memory_space<vmem>>
      %dma_start3A_16 = arith.constant 0 : i32
      %dma_start3A_17 = arith.constant 0 : i32
      %dma_start3A_18 = tpu.memref_slice %arg2[%dma_start3A_16, %dma_start3A_17] : memref<10000x128xf32, #tpu.memory_space<hbm>> -> memref<10000x128xf32, #tpu.memory_space<hbm>>
      tpu.enqueue_indirect_dma source(%dma_start3A_18 : memref<10000x128xf32, #tpu.memory_space<hbm>>) target(%arg9 : memref<128x128xf32, #tpu.memory_space<vmem>>) offsets(%dma_start3A_15 : memref<128xi32, #tpu.memory_space<vmem>>) semaphore(%arg11 : memref<!tpu.dma_semaphore, #tpu.memory_space<semaphore_mem>>)
      %dma_wait3A = arith.constant 0 : i32
      %dma_wait3A_19 = tpu.memref_slice %arg7[%while3A_13, %dma_wait3A] : memref<99x128xi32, #tpu.memory_space<vmem>> -> memref<1x128xi32, #tpu.memory_space<vmem>>
      %dma_wait3A_20 = tpu.memref_squeeze %dma_wait3A_19 : memref<1x128xi32, #tpu.memory_space<vmem>> -> memref<128xi32, #tpu.memory_space<vmem>>
      %dma_wait3A_21 = arith.constant 0 : i32
      %dma_wait3A_22 = arith.constant 0 : i32
      %dma_wait3A_23 = tpu.memref_slice %arg2[%dma_wait3A_21, %dma_wait3A_22] : memref<10000x128xf32, #tpu.memory_space<hbm>> -> memref<10000x128xf32, #tpu.memory_space<hbm>>
      tpu.wait_indirect_dma semaphore(%arg11 : memref<!tpu.dma_semaphore, #tpu.memory_space<semaphore_mem>>) src(%dma_wait3A_23 : memref<10000x128xf32, #tpu.memory_space<hbm>>) dst(%arg9 : memref<128x128xf32, #tpu.memory_space<vmem>>)
      %dma_start3A_24 = arith.constant 0 : i32
      %dma_start3A_25 = tpu.memref_slice %arg8[%while3A_13, %dma_start3A_24] : memref<99x128xi32, #tpu.memory_space<vmem>> -> memref<1x128xi32, #tpu.memory_space<vmem>>
      %dma_start3A_26 = tpu.memref_squeeze %dma_start3A_25 : memref<1x128xi32, #tpu.memory_space<vmem>> -> memref<128xi32, #tpu.memory_space<vmem>>
      %dma_start3A_27 = arith.constant 0 : i32
      %dma_start3A_28 = arith.constant 0 : i32
      %dma_start3A_29 = tpu.memref_slice %arg10[%dma_start3A_27, %dma_start3A_28] : memref<10240x128xf32, #tpu.memory_space<vmem_shared>> -> memref<10240x128xf32, #tpu.memory_space<vmem_shared>>
      tpu.enqueue_indirect_dma source(%arg9 : memref<128x128xf32, #tpu.memory_space<vmem>>) target(%dma_start3A_29 : memref<10240x128xf32, #tpu.memory_space<vmem_shared>>) offsets(%dma_start3A_26 : memref<128xi32, #tpu.memory_space<vmem>>) semaphore(%arg12 : memref<!tpu.dma_semaphore, #tpu.memory_space<semaphore_mem>>) {add = true}
      %dma_wait3A_30 = arith.constant 0 : i32
      %dma_wait3A_31 = tpu.memref_slice %arg8[%while3A_13, %dma_wait3A_30] : memref<99x128xi32, #tpu.memory_space<vmem>> -> memref<1x128xi32, #tpu.memory_space<vmem>>
      %dma_wait3A_32 = tpu.memref_squeeze %dma_wait3A_31 : memref<1x128xi32, #tpu.memory_space<vmem>> -> memref<128xi32, #tpu.memory_space<vmem>>
      %dma_wait3A_33 = arith.constant 0 : i32
      %dma_wait3A_34 = arith.constant 0 : i32
      %dma_wait3A_35 = tpu.memref_slice %arg10[%dma_wait3A_33, %dma_wait3A_34] : memref<10240x128xf32, #tpu.memory_space<vmem_shared>> -> memref<10240x128xf32, #tpu.memory_space<vmem_shared>>
      tpu.wait_indirect_dma semaphore(%arg12 : memref<!tpu.dma_semaphore, #tpu.memory_space<semaphore_mem>>) src(%arg9 : memref<128x128xf32, #tpu.memory_space<vmem>>) dst(%dma_wait3A_35 : memref<10240x128xf32, #tpu.memory_space<vmem_shared>>)
    }
    %barrier3A_12 = arith.constant 0 : index
    tpu.barrier barrier_id(%barrier3A_12)
    "tpu.region"() ({
      %run_scoped3A = tpu.sem_alloc : memref<!tpu.dma_semaphore, #tpu.memory_space<semaphore_mem>>
      %dma_start3A = arith.constant 0 : i32
      %dma_start3A_13 = arith.constant 0 : i32
      %dma_start3A_14 = tpu.memref_slice %arg6[%arg0, %dma_start3A, %dma_start3A_13] : memref<2x10240x128xf32, #tpu.memory_space<hbm>> -> memref<1x10240x128xf32, #tpu.memory_space<hbm>>
      %dma_start3A_15 = tpu.memref_squeeze %dma_start3A_14 : memref<1x10240x128xf32, #tpu.memory_space<hbm>> -> memref<10240x128xf32, #tpu.memory_space<hbm>>
      %dma_start3A_16 = arith.constant 0 : i32
      %dma_start3A_17 = tpu.memref_slice %dma_start3A_15[%mul3A_0, %dma_start3A_16] : memref<10240x128xf32, #tpu.memory_space<hbm>> -> memref<640x128xf32, #tpu.memory_space<hbm>>
      %dma_start3A_18 = arith.constant 0 : i32
      %dma_start3A_19 = tpu.memref_slice %arg10[%mul3A_0, %dma_start3A_18] : memref<10240x128xf32, #tpu.memory_space<vmem_shared>> -> memref<640x128xf32, #tpu.memory_space<vmem_shared>>
      tpu.enqueue_dma source(%dma_start3A_19 : memref<640x128xf32, #tpu.memory_space<vmem_shared>>) target(%dma_start3A_17 : memref<640x128xf32, #tpu.memory_space<hbm>>) target_semaphore(%run_scoped3A : memref<!tpu.dma_semaphore, #tpu.memory_space<semaphore_mem>>)
      %dma_wait3A = arith.constant 0 : i32
      %dma_wait3A_20 = arith.constant 0 : i32
      %dma_wait3A_21 = tpu.memref_slice %arg6[%arg0, %dma_wait3A, %dma_wait3A_20] : memref<2x10240x128xf32, #tpu.memory_space<hbm>> -> memref<1x10240x128xf32, #tpu.memory_space<hbm>>
      %dma_wait3A_22 = tpu.memref_squeeze %dma_wait3A_21 : memref<1x10240x128xf32, #tpu.memory_space<hbm>> -> memref<10240x128xf32, #tpu.memory_space<hbm>>
      %dma_wait3A_23 = arith.constant 0 : i32
      %dma_wait3A_24 = tpu.memref_slice %dma_wait3A_22[%mul3A_0, %dma_wait3A_23] : memref<10240x128xf32, #tpu.memory_space<hbm>> -> memref<640x128xf32, #tpu.memory_space<hbm>>
      %dma_wait3A_25 = arith.constant 0 : i32
      %dma_wait3A_26 = tpu.memref_slice %arg10[%mul3A_0, %dma_wait3A_25] : memref<10240x128xf32, #tpu.memory_space<vmem_shared>> -> memref<640x128xf32, #tpu.memory_space<vmem_shared>>
      tpu.wait_dma2 semaphore(%run_scoped3A : memref<!tpu.dma_semaphore, #tpu.memory_space<semaphore_mem>>) src(%dma_wait3A_26 : memref<640x128xf32, #tpu.memory_space<vmem_shared>>) dst(%dma_wait3A_24 : memref<640x128xf32, #tpu.memory_space<hbm>>)
      tpu.yield
    }) : () -> ()
    return
  }
}

#map = affine_map<(d0, d1) -> (0, 0)>
#map1 = affine_map<(d0, d1) -> (0, 0, 0, 0)>
#map2 = affine_map<(d0, d1) -> (0, 0, 0)>
module attributes {stable_mosaic.version = 14 : i64} {
  func.func @_aggregate_body(%arg0: i32, %arg1: i32, %arg2: memref<10000x128xf32, #tpu.memory_space<hbm>>, %arg3: memref<2x16x99x128xi32, #tpu.memory_space<hbm>>, %arg4: memref<2x16x99x128xi32, #tpu.memory_space<hbm>>, %arg5: memref<10240x128xf32, #tpu.memory_space<hbm>>, %arg6: memref<2x10240x128xf32, #tpu.memory_space<hbm>>, %arg7: memref<99x128xi32, #tpu.memory_space<vmem>>, %arg8: memref<99x128xi32, #tpu.memory_space<vmem>>, %arg9: memref<128x128xf32, #tpu.memory_space<vmem>>, %arg10: memref<10240x128xf32, #tpu.memory_space<vmem_shared>>, %arg11: memref<!tpu.dma_semaphore, #tpu.memory_space<semaphore_mem>>, %arg12: memref<!tpu.dma_semaphore, #tpu.memory_space<semaphore_mem>>) attributes {dimension_semantics = [#tpu.dimension_semantics<core_parallel>, #tpu.dimension_semantics<subcore_parallel>], iteration_bounds = array<i64: 2, 16>, scalar_prefetch = 0 : i64, scratch_operands = 6 : i64, tpu.core_type = #tpu.core_type<sc_vector_subcore>, window_params = [{transform_indices = #map}, {transform_indices = #map1}, {transform_indices = #map1}, {transform_indices = #map}, {transform_indices = #map2}]} {
    %mul3A = arith.constant 640 : i32
    %mul3A_0 = arith.muli %arg1, %mul3A : i32
    "tpu.region"() ({
      %run_scoped3A = tpu.sem_alloc : memref<!tpu.dma_semaphore, #tpu.memory_space<semaphore_mem>>
      %dma_start3A = arith.constant 0 : i32
      %dma_start3A_13 = tpu.memref_slice %arg10[%mul3A_0, %dma_start3A] : memref<10240x128xf32, #tpu.memory_space<vmem_shared>> -> memref<640x128xf32, #tpu.memory_space<vmem_shared>>
      %dma_start3A_14 = arith.constant 0 : i32
      %dma_start3A_15 = tpu.memref_slice %arg5[%mul3A_0, %dma_start3A_14] : memref<10240x128xf32, #tpu.memory_space<hbm>> -> memref<640x128xf32, #tpu.memory_space<hbm>>
      tpu.enqueue_dma source(%dma_start3A_15 : memref<640x128xf32, #tpu.memory_space<hbm>>) target(%dma_start3A_13 : memref<640x128xf32, #tpu.memory_space<vmem_shared>>) target_semaphore(%run_scoped3A : memref<!tpu.dma_semaphore, #tpu.memory_space<semaphore_mem>>)
      %dma_wait3A = arith.constant 0 : i32
      %dma_wait3A_16 = tpu.memref_slice %arg10[%mul3A_0, %dma_wait3A] : memref<10240x128xf32, #tpu.memory_space<vmem_shared>> -> memref<640x128xf32, #tpu.memory_space<vmem_shared>>
      %dma_wait3A_17 = arith.constant 0 : i32
      %dma_wait3A_18 = tpu.memref_slice %arg5[%mul3A_0, %dma_wait3A_17] : memref<10240x128xf32, #tpu.memory_space<hbm>> -> memref<640x128xf32, #tpu.memory_space<hbm>>
      tpu.wait_dma2 semaphore(%run_scoped3A : memref<!tpu.dma_semaphore, #tpu.memory_space<semaphore_mem>>) src(%dma_wait3A_18 : memref<640x128xf32, #tpu.memory_space<hbm>>) dst(%dma_wait3A_16 : memref<640x128xf32, #tpu.memory_space<vmem_shared>>)
      tpu.yield
    }) : () -> ()
    "tpu.region"() ({
      %run_scoped3A = tpu.sem_alloc : memref<!tpu.dma_semaphore, #tpu.memory_space<semaphore_mem>>
      %dma_start3A = arith.constant 0 : i32
      %dma_start3A_13 = arith.constant 0 : i32
      %dma_start3A_14 = arith.constant 0 : i32
      %dma_start3A_15 = tpu.memref_slice %arg3[%arg0, %dma_start3A, %dma_start3A_13, %dma_start3A_14] : memref<2x16x99x128xi32, #tpu.memory_space<hbm>> -> memref<1x16x99x128xi32, #tpu.memory_space<hbm>>
      %dma_start3A_16 = tpu.memref_squeeze %dma_start3A_15 : memref<1x16x99x128xi32, #tpu.memory_space<hbm>> -> memref<16x99x128xi32, #tpu.memory_space<hbm>>
      %dma_start3A_17 = arith.constant 0 : i32
      %dma_start3A_18 = arith.constant 0 : i32
      %dma_start3A_19 = tpu.memref_slice %dma_start3A_16[%arg1, %dma_start3A_17, %dma_start3A_18] : memref<16x99x128xi32, #tpu.memory_space<hbm>> -> memref<1x99x128xi32, #tpu.memory_space<hbm>>
      %dma_start3A_20 = tpu.memref_squeeze %dma_start3A_19 : memref<1x99x128xi32, #tpu.memory_space<hbm>> -> memref<99x128xi32, #tpu.memory_space<hbm>>
      %dma_start3A_21 = arith.constant 0 : i32
      %dma_start3A_22 = arith.constant 0 : i32
      %dma_start3A_23 = arith.constant 0 : i32
      %dma_start3A_24 = tpu.memref_slice %arg3[%arg0, %dma_start3A_21, %dma_start3A_22, %dma_start3A_23] : memref<2x16x99x128xi32, #tpu.memory_space<hbm>> -> memref<1x16x99x128xi32, #tpu.memory_space<hbm>>
      %dma_start3A_25 = tpu.memref_squeeze %dma_start3A_24 : memref<1x16x99x128xi32, #tpu.memory_space<hbm>> -> memref<16x99x128xi32, #tpu.memory_space<hbm>>
      %dma_start3A_26 = arith.constant 0 : i32
      %dma_start3A_27 = arith.constant 0 : i32
      %dma_start3A_28 = tpu.memref_slice %dma_start3A_25[%arg1, %dma_start3A_26, %dma_start3A_27] : memref<16x99x128xi32, #tpu.memory_space<hbm>> -> memref<1x99x128xi32, #tpu.memory_space<hbm>>
      %dma_start3A_29 = tpu.memref_squeeze %dma_start3A_28 : memref<1x99x128xi32, #tpu.memory_space<hbm>> -> memref<99x128xi32, #tpu.memory_space<hbm>>
      tpu.enqueue_dma source(%dma_start3A_29 : memref<99x128xi32, #tpu.memory_space<hbm>>) target(%arg7 : memref<99x128xi32, #tpu.memory_space<vmem>>) target_semaphore(%run_scoped3A : memref<!tpu.dma_semaphore, #tpu.memory_space<semaphore_mem>>)
      %dma_wait3A = arith.constant 0 : i32
      %dma_wait3A_30 = arith.constant 0 : i32
      %dma_wait3A_31 = arith.constant 0 : i32
      %dma_wait3A_32 = tpu.memref_slice %arg3[%arg0, %dma_wait3A, %dma_wait3A_30, %dma_wait3A_31] : memref<2x16x99x128xi32, #tpu.memory_space<hbm>> -> memref<1x16x99x128xi32, #tpu.memory_space<hbm>>
      %dma_wait3A_33 = tpu.memref_squeeze %dma_wait3A_32 : memref<1x16x99x128xi32, #tpu.memory_space<hbm>> -> memref<16x99x128xi32, #tpu.memory_space<hbm>>
      %dma_wait3A_34 = arith.constant 0 : i32
      %dma_wait3A_35 = arith.constant 0 : i32
      %dma_wait3A_36 = tpu.memref_slice %dma_wait3A_33[%arg1, %dma_wait3A_34, %dma_wait3A_35] : memref<16x99x128xi32, #tpu.memory_space<hbm>> -> memref<1x99x128xi32, #tpu.memory_space<hbm>>
      %dma_wait3A_37 = tpu.memref_squeeze %dma_wait3A_36 : memref<1x99x128xi32, #tpu.memory_space<hbm>> -> memref<99x128xi32, #tpu.memory_space<hbm>>
      %dma_wait3A_38 = arith.constant 0 : i32
      %dma_wait3A_39 = arith.constant 0 : i32
      %dma_wait3A_40 = arith.constant 0 : i32
      %dma_wait3A_41 = tpu.memref_slice %arg3[%arg0, %dma_wait3A_38, %dma_wait3A_39, %dma_wait3A_40] : memref<2x16x99x128xi32, #tpu.memory_space<hbm>> -> memref<1x16x99x128xi32, #tpu.memory_space<hbm>>
      %dma_wait3A_42 = tpu.memref_squeeze %dma_wait3A_41 : memref<1x16x99x128xi32, #tpu.memory_space<hbm>> -> memref<16x99x128xi32, #tpu.memory_space<hbm>>
      %dma_wait3A_43 = arith.constant 0 : i32
      %dma_wait3A_44 = arith.constant 0 : i32
      %dma_wait3A_45 = tpu.memref_slice %dma_wait3A_42[%arg1, %dma_wait3A_43, %dma_wait3A_44] : memref<16x99x128xi32, #tpu.memory_space<hbm>> -> memref<1x99x128xi32, #tpu.memory_space<hbm>>
      %dma_wait3A_46 = tpu.memref_squeeze %dma_wait3A_45 : memref<1x99x128xi32, #tpu.memory_space<hbm>> -> memref<99x128xi32, #tpu.memory_space<hbm>>
      tpu.wait_dma2 semaphore(%run_scoped3A : memref<!tpu.dma_semaphore, #tpu.memory_space<semaphore_mem>>) src(%dma_wait3A_46 : memref<99x128xi32, #tpu.memory_space<hbm>>) dst(%arg7 : memref<99x128xi32, #tpu.memory_space<vmem>>)
      tpu.yield
    }) : () -> ()
    "tpu.region"() ({
      %run_scoped3A = tpu.sem_alloc : memref<!tpu.dma_semaphore, #tpu.memory_space<semaphore_mem>>
      %dma_start3A = arith.constant 0 : i32
      %dma_start3A_13 = arith.constant 0 : i32
      %dma_start3A_14 = arith.constant 0 : i32
      %dma_start3A_15 = tpu.memref_slice %arg4[%arg0, %dma_start3A, %dma_start3A_13, %dma_start3A_14] : memref<2x16x99x128xi32, #tpu.memory_space<hbm>> -> memref<1x16x99x128xi32, #tpu.memory_space<hbm>>
      %dma_start3A_16 = tpu.memref_squeeze %dma_start3A_15 : memref<1x16x99x128xi32, #tpu.memory_space<hbm>> -> memref<16x99x128xi32, #tpu.memory_space<hbm>>
      %dma_start3A_17 = arith.constant 0 : i32
      %dma_start3A_18 = arith.constant 0 : i32
      %dma_start3A_19 = tpu.memref_slice %dma_start3A_16[%arg1, %dma_start3A_17, %dma_start3A_18] : memref<16x99x128xi32, #tpu.memory_space<hbm>> -> memref<1x99x128xi32, #tpu.memory_space<hbm>>
      %dma_start3A_20 = tpu.memref_squeeze %dma_start3A_19 : memref<1x99x128xi32, #tpu.memory_space<hbm>> -> memref<99x128xi32, #tpu.memory_space<hbm>>
      %dma_start3A_21 = arith.constant 0 : i32
      %dma_start3A_22 = arith.constant 0 : i32
      %dma_start3A_23 = arith.constant 0 : i32
      %dma_start3A_24 = tpu.memref_slice %arg4[%arg0, %dma_start3A_21, %dma_start3A_22, %dma_start3A_23] : memref<2x16x99x128xi32, #tpu.memory_space<hbm>> -> memref<1x16x99x128xi32, #tpu.memory_space<hbm>>
      %dma_start3A_25 = tpu.memref_squeeze %dma_start3A_24 : memref<1x16x99x128xi32, #tpu.memory_space<hbm>> -> memref<16x99x128xi32, #tpu.memory_space<hbm>>
      %dma_start3A_26 = arith.constant 0 : i32
      %dma_start3A_27 = arith.constant 0 : i32
      %dma_start3A_28 = tpu.memref_slice %dma_start3A_25[%arg1, %dma_start3A_26, %dma_start3A_27] : memref<16x99x128xi32, #tpu.memory_space<hbm>> -> memref<1x99x128xi32, #tpu.memory_space<hbm>>
      %dma_start3A_29 = tpu.memref_squeeze %dma_start3A_28 : memref<1x99x128xi32, #tpu.memory_space<hbm>> -> memref<99x128xi32, #tpu.memory_space<hbm>>
      tpu.enqueue_dma source(%dma_start3A_29 : memref<99x128xi32, #tpu.memory_space<hbm>>) target(%arg8 : memref<99x128xi32, #tpu.memory_space<vmem>>) target_semaphore(%run_scoped3A : memref<!tpu.dma_semaphore, #tpu.memory_space<semaphore_mem>>)
      %dma_wait3A = arith.constant 0 : i32
      %dma_wait3A_30 = arith.constant 0 : i32
      %dma_wait3A_31 = arith.constant 0 : i32
      %dma_wait3A_32 = tpu.memref_slice %arg4[%arg0, %dma_wait3A, %dma_wait3A_30, %dma_wait3A_31] : memref<2x16x99x128xi32, #tpu.memory_space<hbm>> -> memref<1x16x99x128xi32, #tpu.memory_space<hbm>>
      %dma_wait3A_33 = tpu.memref_squeeze %dma_wait3A_32 : memref<1x16x99x128xi32, #tpu.memory_space<hbm>> -> memref<16x99x128xi32, #tpu.memory_space<hbm>>
      %dma_wait3A_34 = arith.constant 0 : i32
      %dma_wait3A_35 = arith.constant 0 : i32
      %dma_wait3A_36 = tpu.memref_slice %dma_wait3A_33[%arg1, %dma_wait3A_34, %dma_wait3A_35] : memref<16x99x128xi32, #tpu.memory_space<hbm>> -> memref<1x99x128xi32, #tpu.memory_space<hbm>>
      %dma_wait3A_37 = tpu.memref_squeeze %dma_wait3A_36 : memref<1x99x128xi32, #tpu.memory_space<hbm>> -> memref<99x128xi32, #tpu.memory_space<hbm>>
      %dma_wait3A_38 = arith.constant 0 : i32
      %dma_wait3A_39 = arith.constant 0 : i32
      %dma_wait3A_40 = arith.constant 0 : i32
      %dma_wait3A_41 = tpu.memref_slice %arg4[%arg0, %dma_wait3A_38, %dma_wait3A_39, %dma_wait3A_40] : memref<2x16x99x128xi32, #tpu.memory_space<hbm>> -> memref<1x16x99x128xi32, #tpu.memory_space<hbm>>
      %dma_wait3A_42 = tpu.memref_squeeze %dma_wait3A_41 : memref<1x16x99x128xi32, #tpu.memory_space<hbm>> -> memref<16x99x128xi32, #tpu.memory_space<hbm>>
      %dma_wait3A_43 = arith.constant 0 : i32
      %dma_wait3A_44 = arith.constant 0 : i32
      %dma_wait3A_45 = tpu.memref_slice %dma_wait3A_42[%arg1, %dma_wait3A_43, %dma_wait3A_44] : memref<16x99x128xi32, #tpu.memory_space<hbm>> -> memref<1x99x128xi32, #tpu.memory_space<hbm>>
      %dma_wait3A_46 = tpu.memref_squeeze %dma_wait3A_45 : memref<1x99x128xi32, #tpu.memory_space<hbm>> -> memref<99x128xi32, #tpu.memory_space<hbm>>
      tpu.wait_dma2 semaphore(%run_scoped3A : memref<!tpu.dma_semaphore, #tpu.memory_space<semaphore_mem>>) src(%dma_wait3A_46 : memref<99x128xi32, #tpu.memory_space<hbm>>) dst(%arg8 : memref<99x128xi32, #tpu.memory_space<vmem>>)
      tpu.yield
    }) : () -> ()
    %barrier3A = arith.constant 0 : index
    tpu.barrier barrier_id(%barrier3A)
    %eq3A = arith.constant 0 : i32
    %eq3A_1 = arith.cmpi eq, %arg0, %eq3A : i32
    %jit3A = arith.constant 58 : i32
    %jit3A_2 = arith.constant 99 : i32
    %select_n3A = arith.select %eq3A_1, %jit3A, %jit3A_2 : i32
    %while3A = arith.constant 0 : i32
    %while3A_3 = arith.constant 0 : i32
    %while3A_4 = arith.subi %select_n3A, %while3A_3 : i32
    %while3A_5 = arith.addi %while3A_3, %while3A_4 : i32
    %while3A_6 = arith.constant 1 : i32
    %while3A_7 = arith.divsi %while3A_4, %while3A_6 : i32
    %while3A_8 = arith.muli %while3A_7, %while3A_6 : i32
    %while3A_9 = arith.addi %while3A_3, %while3A_8 : i32
    %while3A_10 = arith.constant 1 : i32
    scf.for %while3A_13 = %while3A_3 to %while3A_9 step %while3A_10  : i32 {
      %dma_start3A = arith.constant 0 : i32
      %dma_start3A_14 = tpu.memref_slice %arg7[%while3A_13, %dma_start3A] : memref<99x128xi32, #tpu.memory_space<vmem>> -> memref<1x128xi32, #tpu.memory_space<vmem>>
      %dma_start3A_15 = tpu.memref_squeeze %dma_start3A_14 : memref<1x128xi32, #tpu.memory_space<vmem>> -> memref<128xi32, #tpu.memory_space<vmem>>
      %dma_start3A_16 = arith.constant 0 : i32
      %dma_start3A_17 = arith.constant 0 : i32
      %dma_start3A_18 = tpu.memref_slice %arg2[%dma_start3A_16, %dma_start3A_17] : memref<10000x128xf32, #tpu.memory_space<hbm>> -> memref<10000x128xf32, #tpu.memory_space<hbm>>
      tpu.enqueue_indirect_dma source(%dma_start3A_18 : memref<10000x128xf32, #tpu.memory_space<hbm>>) target(%arg9 : memref<128x128xf32, #tpu.memory_space<vmem>>) offsets(%dma_start3A_15 : memref<128xi32, #tpu.memory_space<vmem>>) semaphore(%arg11 : memref<!tpu.dma_semaphore, #tpu.memory_space<semaphore_mem>>)
      %dma_wait3A = arith.constant 0 : i32
      %dma_wait3A_19 = tpu.memref_slice %arg7[%while3A_13, %dma_wait3A] : memref<99x128xi32, #tpu.memory_space<vmem>> -> memref<1x128xi32, #tpu.memory_space<vmem>>
      %dma_wait3A_20 = tpu.memref_squeeze %dma_wait3A_19 : memref<1x128xi32, #tpu.memory_space<vmem>> -> memref<128xi32, #tpu.memory_space<vmem>>
      %dma_wait3A_21 = arith.constant 0 : i32
      %dma_wait3A_22 = arith.constant 0 : i32
      %dma_wait3A_23 = tpu.memref_slice %arg2[%dma_wait3A_21, %dma_wait3A_22] : memref<10000x128xf32, #tpu.memory_space<hbm>> -> memref<10000x128xf32, #tpu.memory_space<hbm>>
      tpu.wait_indirect_dma semaphore(%arg11 : memref<!tpu.dma_semaphore, #tpu.memory_space<semaphore_mem>>) src(%dma_wait3A_23 : memref<10000x128xf32, #tpu.memory_space<hbm>>) dst(%arg9 : memref<128x128xf32, #tpu.memory_space<vmem>>)
      %dma_start3A_24 = arith.constant 0 : i32
      %dma_start3A_25 = tpu.memref_slice %arg8[%while3A_13, %dma_start3A_24] : memref<99x128xi32, #tpu.memory_space<vmem>> -> memref<1x128xi32, #tpu.memory_space<vmem>>
      %dma_start3A_26 = tpu.memref_squeeze %dma_start3A_25 : memref<1x128xi32, #tpu.memory_space<vmem>> -> memref<128xi32, #tpu.memory_space<vmem>>
      %dma_start3A_27 = arith.constant 0 : i32
      %dma_start3A_28 = arith.constant 0 : i32
      %dma_start3A_29 = tpu.memref_slice %arg10[%dma_start3A_27, %dma_start3A_28] : memref<10240x128xf32, #tpu.memory_space<vmem_shared>> -> memref<10240x128xf32, #tpu.memory_space<vmem_shared>>
      tpu.enqueue_indirect_dma source(%arg9 : memref<128x128xf32, #tpu.memory_space<vmem>>) target(%dma_start3A_29 : memref<10240x128xf32, #tpu.memory_space<vmem_shared>>) offsets(%dma_start3A_26 : memref<128xi32, #tpu.memory_space<vmem>>) semaphore(%arg12 : memref<!tpu.dma_semaphore, #tpu.memory_space<semaphore_mem>>) {add = true}
      %dma_wait3A_30 = arith.constant 0 : i32
      %dma_wait3A_31 = tpu.memref_slice %arg8[%while3A_13, %dma_wait3A_30] : memref<99x128xi32, #tpu.memory_space<vmem>> -> memref<1x128xi32, #tpu.memory_space<vmem>>
      %dma_wait3A_32 = tpu.memref_squeeze %dma_wait3A_31 : memref<1x128xi32, #tpu.memory_space<vmem>> -> memref<128xi32, #tpu.memory_space<vmem>>
      %dma_wait3A_33 = arith.constant 0 : i32
      %dma_wait3A_34 = arith.constant 0 : i32
      %dma_wait3A_35 = tpu.memref_slice %arg10[%dma_wait3A_33, %dma_wait3A_34] : memref<10240x128xf32, #tpu.memory_space<vmem_shared>> -> memref<10240x128xf32, #tpu.memory_space<vmem_shared>>
      tpu.wait_indirect_dma semaphore(%arg12 : memref<!tpu.dma_semaphore, #tpu.memory_space<semaphore_mem>>) src(%arg9 : memref<128x128xf32, #tpu.memory_space<vmem>>) dst(%dma_wait3A_35 : memref<10240x128xf32, #tpu.memory_space<vmem_shared>>)
    }
    %while3A_11 = arith.constant 1 : i32
    scf.for %while3A_13 = %while3A_9 to %while3A_5 step %while3A_11  : i32 {
      %dma_start3A = arith.constant 0 : i32
      %dma_start3A_14 = tpu.memref_slice %arg7[%while3A_13, %dma_start3A] : memref<99x128xi32, #tpu.memory_space<vmem>> -> memref<1x128xi32, #tpu.memory_space<vmem>>
      %dma_start3A_15 = tpu.memref_squeeze %dma_start3A_14 : memref<1x128xi32, #tpu.memory_space<vmem>> -> memref<128xi32, #tpu.memory_space<vmem>>
      %dma_start3A_16 = arith.constant 0 : i32
      %dma_start3A_17 = arith.constant 0 : i32
      %dma_start3A_18 = tpu.memref_slice %arg2[%dma_start3A_16, %dma_start3A_17] : memref<10000x128xf32, #tpu.memory_space<hbm>> -> memref<10000x128xf32, #tpu.memory_space<hbm>>
      tpu.enqueue_indirect_dma source(%dma_start3A_18 : memref<10000x128xf32, #tpu.memory_space<hbm>>) target(%arg9 : memref<128x128xf32, #tpu.memory_space<vmem>>) offsets(%dma_start3A_15 : memref<128xi32, #tpu.memory_space<vmem>>) semaphore(%arg11 : memref<!tpu.dma_semaphore, #tpu.memory_space<semaphore_mem>>)
      %dma_wait3A = arith.constant 0 : i32
      %dma_wait3A_19 = tpu.memref_slice %arg7[%while3A_13, %dma_wait3A] : memref<99x128xi32, #tpu.memory_space<vmem>> -> memref<1x128xi32, #tpu.memory_space<vmem>>
      %dma_wait3A_20 = tpu.memref_squeeze %dma_wait3A_19 : memref<1x128xi32, #tpu.memory_space<vmem>> -> memref<128xi32, #tpu.memory_space<vmem>>
      %dma_wait3A_21 = arith.constant 0 : i32
      %dma_wait3A_22 = arith.constant 0 : i32
      %dma_wait3A_23 = tpu.memref_slice %arg2[%dma_wait3A_21, %dma_wait3A_22] : memref<10000x128xf32, #tpu.memory_space<hbm>> -> memref<10000x128xf32, #tpu.memory_space<hbm>>
      tpu.wait_indirect_dma semaphore(%arg11 : memref<!tpu.dma_semaphore, #tpu.memory_space<semaphore_mem>>) src(%dma_wait3A_23 : memref<10000x128xf32, #tpu.memory_space<hbm>>) dst(%arg9 : memref<128x128xf32, #tpu.memory_space<vmem>>)
      %dma_start3A_24 = arith.constant 0 : i32
      %dma_start3A_25 = tpu.memref_slice %arg8[%while3A_13, %dma_start3A_24] : memref<99x128xi32, #tpu.memory_space<vmem>> -> memref<1x128xi32, #tpu.memory_space<vmem>>
      %dma_start3A_26 = tpu.memref_squeeze %dma_start3A_25 : memref<1x128xi32, #tpu.memory_space<vmem>> -> memref<128xi32, #tpu.memory_space<vmem>>
      %dma_start3A_27 = arith.constant 0 : i32
      %dma_start3A_28 = arith.constant 0 : i32
      %dma_start3A_29 = tpu.memref_slice %arg10[%dma_start3A_27, %dma_start3A_28] : memref<10240x128xf32, #tpu.memory_space<vmem_shared>> -> memref<10240x128xf32, #tpu.memory_space<vmem_shared>>
      tpu.enqueue_indirect_dma source(%arg9 : memref<128x128xf32, #tpu.memory_space<vmem>>) target(%dma_start3A_29 : memref<10240x128xf32, #tpu.memory_space<vmem_shared>>) offsets(%dma_start3A_26 : memref<128xi32, #tpu.memory_space<vmem>>) semaphore(%arg12 : memref<!tpu.dma_semaphore, #tpu.memory_space<semaphore_mem>>) {add = true}
      %dma_wait3A_30 = arith.constant 0 : i32
      %dma_wait3A_31 = tpu.memref_slice %arg8[%while3A_13, %dma_wait3A_30] : memref<99x128xi32, #tpu.memory_space<vmem>> -> memref<1x128xi32, #tpu.memory_space<vmem>>
      %dma_wait3A_32 = tpu.memref_squeeze %dma_wait3A_31 : memref<1x128xi32, #tpu.memory_space<vmem>> -> memref<128xi32, #tpu.memory_space<vmem>>
      %dma_wait3A_33 = arith.constant 0 : i32
      %dma_wait3A_34 = arith.constant 0 : i32
      %dma_wait3A_35 = tpu.memref_slice %arg10[%dma_wait3A_33, %dma_wait3A_34] : memref<10240x128xf32, #tpu.memory_space<vmem_shared>> -> memref<10240x128xf32, #tpu.memory_space<vmem_shared>>
      tpu.wait_indirect_dma semaphore(%arg12 : memref<!tpu.dma_semaphore, #tpu.memory_space<semaphore_mem>>) src(%arg9 : memref<128x128xf32, #tpu.memory_space<vmem>>) dst(%dma_wait3A_35 : memref<10240x128xf32, #tpu.memory_space<vmem_shared>>)
    }
    %barrier3A_12 = arith.constant 0 : index
    tpu.barrier barrier_id(%barrier3A_12)
    "tpu.region"() ({
      %run_scoped3A = tpu.sem_alloc : memref<!tpu.dma_semaphore, #tpu.memory_space<semaphore_mem>>
      %dma_start3A = arith.constant 0 : i32
      %dma_start3A_13 = arith.constant 0 : i32
      %dma_start3A_14 = tpu.memref_slice %arg6[%arg0, %dma_start3A, %dma_start3A_13] : memref<2x10240x128xf32, #tpu.memory_space<hbm>> -> memref<1x10240x128xf32, #tpu.memory_space<hbm>>
      %dma_start3A_15 = tpu.memref_squeeze %dma_start3A_14 : memref<1x10240x128xf32, #tpu.memory_space<hbm>> -> memref<10240x128xf32, #tpu.memory_space<hbm>>
      %dma_start3A_16 = arith.constant 0 : i32
      %dma_start3A_17 = tpu.memref_slice %dma_start3A_15[%mul3A_0, %dma_start3A_16] : memref<10240x128xf32, #tpu.memory_space<hbm>> -> memref<640x128xf32, #tpu.memory_space<hbm>>
      %dma_start3A_18 = arith.constant 0 : i32
      %dma_start3A_19 = tpu.memref_slice %arg10[%mul3A_0, %dma_start3A_18] : memref<10240x128xf32, #tpu.memory_space<vmem_shared>> -> memref<640x128xf32, #tpu.memory_space<vmem_shared>>
      tpu.enqueue_dma source(%dma_start3A_19 : memref<640x128xf32, #tpu.memory_space<vmem_shared>>) target(%dma_start3A_17 : memref<640x128xf32, #tpu.memory_space<hbm>>) target_semaphore(%run_scoped3A : memref<!tpu.dma_semaphore, #tpu.memory_space<semaphore_mem>>)
      %dma_wait3A = arith.constant 0 : i32
      %dma_wait3A_20 = arith.constant 0 : i32
      %dma_wait3A_21 = tpu.memref_slice %arg6[%arg0, %dma_wait3A, %dma_wait3A_20] : memref<2x10240x128xf32, #tpu.memory_space<hbm>> -> memref<1x10240x128xf32, #tpu.memory_space<hbm>>
      %dma_wait3A_22 = tpu.memref_squeeze %dma_wait3A_21 : memref<1x10240x128xf32, #tpu.memory_space<hbm>> -> memref<10240x128xf32, #tpu.memory_space<hbm>>
      %dma_wait3A_23 = arith.constant 0 : i32
      %dma_wait3A_24 = tpu.memref_slice %dma_wait3A_22[%mul3A_0, %dma_wait3A_23] : memref<10240x128xf32, #tpu.memory_space<hbm>> -> memref<640x128xf32, #tpu.memory_space<hbm>>
      %dma_wait3A_25 = arith.constant 0 : i32
      %dma_wait3A_26 = tpu.memref_slice %arg10[%mul3A_0, %dma_wait3A_25] : memref<10240x128xf32, #tpu.memory_space<vmem_shared>> -> memref<640x128xf32, #tpu.memory_space<vmem_shared>>
      tpu.wait_dma2 semaphore(%run_scoped3A : memref<!tpu.dma_semaphore, #tpu.memory_space<semaphore_mem>>) src(%dma_wait3A_26 : memref<640x128xf32, #tpu.memory_space<vmem_shared>>) dst(%dma_wait3A_24 : memref<640x128xf32, #tpu.memory_space<hbm>>)
      tpu.yield
    }) : () -> ()
    return
  }
}

#map = affine_map<(d0, d1) -> (0, 0)>
#map1 = affine_map<(d0, d1) -> (0, 0, 0, 0)>
#map2 = affine_map<(d0, d1) -> (0, 0, 0)>
module attributes {stable_mosaic.version = 14 : i64} {
  func.func @_aggregate_body(%arg0: i32, %arg1: i32, %arg2: memref<10000x128xf32, #tpu.memory_space<hbm>>, %arg3: memref<2x16x99x128xi32, #tpu.memory_space<hbm>>, %arg4: memref<2x16x99x128xi32, #tpu.memory_space<hbm>>, %arg5: memref<10240x128xf32, #tpu.memory_space<hbm>>, %arg6: memref<2x10240x128xf32, #tpu.memory_space<hbm>>, %arg7: memref<99x128xi32, #tpu.memory_space<vmem>>, %arg8: memref<99x128xi32, #tpu.memory_space<vmem>>, %arg9: memref<128x128xf32, #tpu.memory_space<vmem>>, %arg10: memref<10240x128xf32, #tpu.memory_space<vmem_shared>>, %arg11: memref<!tpu.dma_semaphore, #tpu.memory_space<semaphore_mem>>, %arg12: memref<!tpu.dma_semaphore, #tpu.memory_space<semaphore_mem>>) attributes {dimension_semantics = [#tpu.dimension_semantics<core_parallel>, #tpu.dimension_semantics<subcore_parallel>], iteration_bounds = array<i64: 2, 16>, scalar_prefetch = 0 : i64, scratch_operands = 6 : i64, tpu.core_type = #tpu.core_type<sc_vector_subcore>, window_params = [{transform_indices = #map}, {transform_indices = #map1}, {transform_indices = #map1}, {transform_indices = #map}, {transform_indices = #map2}]} {
    %mul3A = arith.constant 640 : i32
    %mul3A_0 = arith.muli %arg1, %mul3A : i32
    "tpu.region"() ({
      %run_scoped3A = tpu.sem_alloc : memref<!tpu.dma_semaphore, #tpu.memory_space<semaphore_mem>>
      %dma_start3A = arith.constant 0 : i32
      %dma_start3A_13 = tpu.memref_slice %arg10[%mul3A_0, %dma_start3A] : memref<10240x128xf32, #tpu.memory_space<vmem_shared>> -> memref<640x128xf32, #tpu.memory_space<vmem_shared>>
      %dma_start3A_14 = arith.constant 0 : i32
      %dma_start3A_15 = tpu.memref_slice %arg5[%mul3A_0, %dma_start3A_14] : memref<10240x128xf32, #tpu.memory_space<hbm>> -> memref<640x128xf32, #tpu.memory_space<hbm>>
      tpu.enqueue_dma source(%dma_start3A_15 : memref<640x128xf32, #tpu.memory_space<hbm>>) target(%dma_start3A_13 : memref<640x128xf32, #tpu.memory_space<vmem_shared>>) target_semaphore(%run_scoped3A : memref<!tpu.dma_semaphore, #tpu.memory_space<semaphore_mem>>)
      %dma_wait3A = arith.constant 0 : i32
      %dma_wait3A_16 = tpu.memref_slice %arg10[%mul3A_0, %dma_wait3A] : memref<10240x128xf32, #tpu.memory_space<vmem_shared>> -> memref<640x128xf32, #tpu.memory_space<vmem_shared>>
      %dma_wait3A_17 = arith.constant 0 : i32
      %dma_wait3A_18 = tpu.memref_slice %arg5[%mul3A_0, %dma_wait3A_17] : memref<10240x128xf32, #tpu.memory_space<hbm>> -> memref<640x128xf32, #tpu.memory_space<hbm>>
      tpu.wait_dma2 semaphore(%run_scoped3A : memref<!tpu.dma_semaphore, #tpu.memory_space<semaphore_mem>>) src(%dma_wait3A_18 : memref<640x128xf32, #tpu.memory_space<hbm>>) dst(%dma_wait3A_16 : memref<640x128xf32, #tpu.memory_space<vmem_shared>>)
      tpu.yield
    }) : () -> ()
    "tpu.region"() ({
      %run_scoped3A = tpu.sem_alloc : memref<!tpu.dma_semaphore, #tpu.memory_space<semaphore_mem>>
      %dma_start3A = arith.constant 0 : i32
      %dma_start3A_13 = arith.constant 0 : i32
      %dma_start3A_14 = arith.constant 0 : i32
      %dma_start3A_15 = tpu.memref_slice %arg3[%arg0, %dma_start3A, %dma_start3A_13, %dma_start3A_14] : memref<2x16x99x128xi32, #tpu.memory_space<hbm>> -> memref<1x16x99x128xi32, #tpu.memory_space<hbm>>
      %dma_start3A_16 = tpu.memref_squeeze %dma_start3A_15 : memref<1x16x99x128xi32, #tpu.memory_space<hbm>> -> memref<16x99x128xi32, #tpu.memory_space<hbm>>
      %dma_start3A_17 = arith.constant 0 : i32
      %dma_start3A_18 = arith.constant 0 : i32
      %dma_start3A_19 = tpu.memref_slice %dma_start3A_16[%arg1, %dma_start3A_17, %dma_start3A_18] : memref<16x99x128xi32, #tpu.memory_space<hbm>> -> memref<1x99x128xi32, #tpu.memory_space<hbm>>
      %dma_start3A_20 = tpu.memref_squeeze %dma_start3A_19 : memref<1x99x128xi32, #tpu.memory_space<hbm>> -> memref<99x128xi32, #tpu.memory_space<hbm>>
      %dma_start3A_21 = arith.constant 0 : i32
      %dma_start3A_22 = arith.constant 0 : i32
      %dma_start3A_23 = arith.constant 0 : i32
      %dma_start3A_24 = tpu.memref_slice %arg3[%arg0, %dma_start3A_21, %dma_start3A_22, %dma_start3A_23] : memref<2x16x99x128xi32, #tpu.memory_space<hbm>> -> memref<1x16x99x128xi32, #tpu.memory_space<hbm>>
      %dma_start3A_25 = tpu.memref_squeeze %dma_start3A_24 : memref<1x16x99x128xi32, #tpu.memory_space<hbm>> -> memref<16x99x128xi32, #tpu.memory_space<hbm>>
      %dma_start3A_26 = arith.constant 0 : i32
      %dma_start3A_27 = arith.constant 0 : i32
      %dma_start3A_28 = tpu.memref_slice %dma_start3A_25[%arg1, %dma_start3A_26, %dma_start3A_27] : memref<16x99x128xi32, #tpu.memory_space<hbm>> -> memref<1x99x128xi32, #tpu.memory_space<hbm>>
      %dma_start3A_29 = tpu.memref_squeeze %dma_start3A_28 : memref<1x99x128xi32, #tpu.memory_space<hbm>> -> memref<99x128xi32, #tpu.memory_space<hbm>>
      tpu.enqueue_dma source(%dma_start3A_29 : memref<99x128xi32, #tpu.memory_space<hbm>>) target(%arg7 : memref<99x128xi32, #tpu.memory_space<vmem>>) target_semaphore(%run_scoped3A : memref<!tpu.dma_semaphore, #tpu.memory_space<semaphore_mem>>)
      %dma_wait3A = arith.constant 0 : i32
      %dma_wait3A_30 = arith.constant 0 : i32
      %dma_wait3A_31 = arith.constant 0 : i32
      %dma_wait3A_32 = tpu.memref_slice %arg3[%arg0, %dma_wait3A, %dma_wait3A_30, %dma_wait3A_31] : memref<2x16x99x128xi32, #tpu.memory_space<hbm>> -> memref<1x16x99x128xi32, #tpu.memory_space<hbm>>
      %dma_wait3A_33 = tpu.memref_squeeze %dma_wait3A_32 : memref<1x16x99x128xi32, #tpu.memory_space<hbm>> -> memref<16x99x128xi32, #tpu.memory_space<hbm>>
      %dma_wait3A_34 = arith.constant 0 : i32
      %dma_wait3A_35 = arith.constant 0 : i32
      %dma_wait3A_36 = tpu.memref_slice %dma_wait3A_33[%arg1, %dma_wait3A_34, %dma_wait3A_35] : memref<16x99x128xi32, #tpu.memory_space<hbm>> -> memref<1x99x128xi32, #tpu.memory_space<hbm>>
      %dma_wait3A_37 = tpu.memref_squeeze %dma_wait3A_36 : memref<1x99x128xi32, #tpu.memory_space<hbm>> -> memref<99x128xi32, #tpu.memory_space<hbm>>
      %dma_wait3A_38 = arith.constant 0 : i32
      %dma_wait3A_39 = arith.constant 0 : i32
      %dma_wait3A_40 = arith.constant 0 : i32
      %dma_wait3A_41 = tpu.memref_slice %arg3[%arg0, %dma_wait3A_38, %dma_wait3A_39, %dma_wait3A_40] : memref<2x16x99x128xi32, #tpu.memory_space<hbm>> -> memref<1x16x99x128xi32, #tpu.memory_space<hbm>>
      %dma_wait3A_42 = tpu.memref_squeeze %dma_wait3A_41 : memref<1x16x99x128xi32, #tpu.memory_space<hbm>> -> memref<16x99x128xi32, #tpu.memory_space<hbm>>
      %dma_wait3A_43 = arith.constant 0 : i32
      %dma_wait3A_44 = arith.constant 0 : i32
      %dma_wait3A_45 = tpu.memref_slice %dma_wait3A_42[%arg1, %dma_wait3A_43, %dma_wait3A_44] : memref<16x99x128xi32, #tpu.memory_space<hbm>> -> memref<1x99x128xi32, #tpu.memory_space<hbm>>
      %dma_wait3A_46 = tpu.memref_squeeze %dma_wait3A_45 : memref<1x99x128xi32, #tpu.memory_space<hbm>> -> memref<99x128xi32, #tpu.memory_space<hbm>>
      tpu.wait_dma2 semaphore(%run_scoped3A : memref<!tpu.dma_semaphore, #tpu.memory_space<semaphore_mem>>) src(%dma_wait3A_46 : memref<99x128xi32, #tpu.memory_space<hbm>>) dst(%arg7 : memref<99x128xi32, #tpu.memory_space<vmem>>)
      tpu.yield
    }) : () -> ()
    "tpu.region"() ({
      %run_scoped3A = tpu.sem_alloc : memref<!tpu.dma_semaphore, #tpu.memory_space<semaphore_mem>>
      %dma_start3A = arith.constant 0 : i32
      %dma_start3A_13 = arith.constant 0 : i32
      %dma_start3A_14 = arith.constant 0 : i32
      %dma_start3A_15 = tpu.memref_slice %arg4[%arg0, %dma_start3A, %dma_start3A_13, %dma_start3A_14] : memref<2x16x99x128xi32, #tpu.memory_space<hbm>> -> memref<1x16x99x128xi32, #tpu.memory_space<hbm>>
      %dma_start3A_16 = tpu.memref_squeeze %dma_start3A_15 : memref<1x16x99x128xi32, #tpu.memory_space<hbm>> -> memref<16x99x128xi32, #tpu.memory_space<hbm>>
      %dma_start3A_17 = arith.constant 0 : i32
      %dma_start3A_18 = arith.constant 0 : i32
      %dma_start3A_19 = tpu.memref_slice %dma_start3A_16[%arg1, %dma_start3A_17, %dma_start3A_18] : memref<16x99x128xi32, #tpu.memory_space<hbm>> -> memref<1x99x128xi32, #tpu.memory_space<hbm>>
      %dma_start3A_20 = tpu.memref_squeeze %dma_start3A_19 : memref<1x99x128xi32, #tpu.memory_space<hbm>> -> memref<99x128xi32, #tpu.memory_space<hbm>>
      %dma_start3A_21 = arith.constant 0 : i32
      %dma_start3A_22 = arith.constant 0 : i32
      %dma_start3A_23 = arith.constant 0 : i32
      %dma_start3A_24 = tpu.memref_slice %arg4[%arg0, %dma_start3A_21, %dma_start3A_22, %dma_start3A_23] : memref<2x16x99x128xi32, #tpu.memory_space<hbm>> -> memref<1x16x99x128xi32, #tpu.memory_space<hbm>>
      %dma_start3A_25 = tpu.memref_squeeze %dma_start3A_24 : memref<1x16x99x128xi32, #tpu.memory_space<hbm>> -> memref<16x99x128xi32, #tpu.memory_space<hbm>>
      %dma_start3A_26 = arith.constant 0 : i32
      %dma_start3A_27 = arith.constant 0 : i32
      %dma_start3A_28 = tpu.memref_slice %dma_start3A_25[%arg1, %dma_start3A_26, %dma_start3A_27] : memref<16x99x128xi32, #tpu.memory_space<hbm>> -> memref<1x99x128xi32, #tpu.memory_space<hbm>>
      %dma_start3A_29 = tpu.memref_squeeze %dma_start3A_28 : memref<1x99x128xi32, #tpu.memory_space<hbm>> -> memref<99x128xi32, #tpu.memory_space<hbm>>
      tpu.enqueue_dma source(%dma_start3A_29 : memref<99x128xi32, #tpu.memory_space<hbm>>) target(%arg8 : memref<99x128xi32, #tpu.memory_space<vmem>>) target_semaphore(%run_scoped3A : memref<!tpu.dma_semaphore, #tpu.memory_space<semaphore_mem>>)
      %dma_wait3A = arith.constant 0 : i32
      %dma_wait3A_30 = arith.constant 0 : i32
      %dma_wait3A_31 = arith.constant 0 : i32
      %dma_wait3A_32 = tpu.memref_slice %arg4[%arg0, %dma_wait3A, %dma_wait3A_30, %dma_wait3A_31] : memref<2x16x99x128xi32, #tpu.memory_space<hbm>> -> memref<1x16x99x128xi32, #tpu.memory_space<hbm>>
      %dma_wait3A_33 = tpu.memref_squeeze %dma_wait3A_32 : memref<1x16x99x128xi32, #tpu.memory_space<hbm>> -> memref<16x99x128xi32, #tpu.memory_space<hbm>>
      %dma_wait3A_34 = arith.constant 0 : i32
      %dma_wait3A_35 = arith.constant 0 : i32
      %dma_wait3A_36 = tpu.memref_slice %dma_wait3A_33[%arg1, %dma_wait3A_34, %dma_wait3A_35] : memref<16x99x128xi32, #tpu.memory_space<hbm>> -> memref<1x99x128xi32, #tpu.memory_space<hbm>>
      %dma_wait3A_37 = tpu.memref_squeeze %dma_wait3A_36 : memref<1x99x128xi32, #tpu.memory_space<hbm>> -> memref<99x128xi32, #tpu.memory_space<hbm>>
      %dma_wait3A_38 = arith.constant 0 : i32
      %dma_wait3A_39 = arith.constant 0 : i32
      %dma_wait3A_40 = arith.constant 0 : i32
      %dma_wait3A_41 = tpu.memref_slice %arg4[%arg0, %dma_wait3A_38, %dma_wait3A_39, %dma_wait3A_40] : memref<2x16x99x128xi32, #tpu.memory_space<hbm>> -> memref<1x16x99x128xi32, #tpu.memory_space<hbm>>
      %dma_wait3A_42 = tpu.memref_squeeze %dma_wait3A_41 : memref<1x16x99x128xi32, #tpu.memory_space<hbm>> -> memref<16x99x128xi32, #tpu.memory_space<hbm>>
      %dma_wait3A_43 = arith.constant 0 : i32
      %dma_wait3A_44 = arith.constant 0 : i32
      %dma_wait3A_45 = tpu.memref_slice %dma_wait3A_42[%arg1, %dma_wait3A_43, %dma_wait3A_44] : memref<16x99x128xi32, #tpu.memory_space<hbm>> -> memref<1x99x128xi32, #tpu.memory_space<hbm>>
      %dma_wait3A_46 = tpu.memref_squeeze %dma_wait3A_45 : memref<1x99x128xi32, #tpu.memory_space<hbm>> -> memref<99x128xi32, #tpu.memory_space<hbm>>
      tpu.wait_dma2 semaphore(%run_scoped3A : memref<!tpu.dma_semaphore, #tpu.memory_space<semaphore_mem>>) src(%dma_wait3A_46 : memref<99x128xi32, #tpu.memory_space<hbm>>) dst(%arg8 : memref<99x128xi32, #tpu.memory_space<vmem>>)
      tpu.yield
    }) : () -> ()
    %barrier3A = arith.constant 0 : index
    tpu.barrier barrier_id(%barrier3A)
    %eq3A = arith.constant 0 : i32
    %eq3A_1 = arith.cmpi eq, %arg0, %eq3A : i32
    %jit3A = arith.constant 58 : i32
    %jit3A_2 = arith.constant 99 : i32
    %select_n3A = arith.select %eq3A_1, %jit3A, %jit3A_2 : i32
    %while3A = arith.constant 0 : i32
    %while3A_3 = arith.constant 0 : i32
    %while3A_4 = arith.subi %select_n3A, %while3A_3 : i32
    %while3A_5 = arith.addi %while3A_3, %while3A_4 : i32
    %while3A_6 = arith.constant 1 : i32
    %while3A_7 = arith.divsi %while3A_4, %while3A_6 : i32
    %while3A_8 = arith.muli %while3A_7, %while3A_6 : i32
    %while3A_9 = arith.addi %while3A_3, %while3A_8 : i32
    %while3A_10 = arith.constant 1 : i32
    scf.for %while3A_13 = %while3A_3 to %while3A_9 step %while3A_10  : i32 {
      %dma_start3A = arith.constant 0 : i32
      %dma_start3A_14 = tpu.memref_slice %arg7[%while3A_13, %dma_start3A] : memref<99x128xi32, #tpu.memory_space<vmem>> -> memref<1x128xi32, #tpu.memory_space<vmem>>
      %dma_start3A_15 = tpu.memref_squeeze %dma_start3A_14 : memref<1x128xi32, #tpu.memory_space<vmem>> -> memref<128xi32, #tpu.memory_space<vmem>>
      %dma_start3A_16 = arith.constant 0 : i32
      %dma_start3A_17 = arith.constant 0 : i32
      %dma_start3A_18 = tpu.memref_slice %arg2[%dma_start3A_16, %dma_start3A_17] : memref<10000x128xf32, #tpu.memory_space<hbm>> -> memref<10000x128xf32, #tpu.memory_space<hbm>>
      tpu.enqueue_indirect_dma source(%dma_start3A_18 : memref<10000x128xf32, #tpu.memory_space<hbm>>) target(%arg9 : memref<128x128xf32, #tpu.memory_space<vmem>>) offsets(%dma_start3A_15 : memref<128xi32, #tpu.memory_space<vmem>>) semaphore(%arg11 : memref<!tpu.dma_semaphore, #tpu.memory_space<semaphore_mem>>)
      %dma_wait3A = arith.constant 0 : i32
      %dma_wait3A_19 = tpu.memref_slice %arg7[%while3A_13, %dma_wait3A] : memref<99x128xi32, #tpu.memory_space<vmem>> -> memref<1x128xi32, #tpu.memory_space<vmem>>
      %dma_wait3A_20 = tpu.memref_squeeze %dma_wait3A_19 : memref<1x128xi32, #tpu.memory_space<vmem>> -> memref<128xi32, #tpu.memory_space<vmem>>
      %dma_wait3A_21 = arith.constant 0 : i32
      %dma_wait3A_22 = arith.constant 0 : i32
      %dma_wait3A_23 = tpu.memref_slice %arg2[%dma_wait3A_21, %dma_wait3A_22] : memref<10000x128xf32, #tpu.memory_space<hbm>> -> memref<10000x128xf32, #tpu.memory_space<hbm>>
      tpu.wait_indirect_dma semaphore(%arg11 : memref<!tpu.dma_semaphore, #tpu.memory_space<semaphore_mem>>) src(%dma_wait3A_23 : memref<10000x128xf32, #tpu.memory_space<hbm>>) dst(%arg9 : memref<128x128xf32, #tpu.memory_space<vmem>>)
      %dma_start3A_24 = arith.constant 0 : i32
      %dma_start3A_25 = tpu.memref_slice %arg8[%while3A_13, %dma_start3A_24] : memref<99x128xi32, #tpu.memory_space<vmem>> -> memref<1x128xi32, #tpu.memory_space<vmem>>
      %dma_start3A_26 = tpu.memref_squeeze %dma_start3A_25 : memref<1x128xi32, #tpu.memory_space<vmem>> -> memref<128xi32, #tpu.memory_space<vmem>>
      %dma_start3A_27 = arith.constant 0 : i32
      %dma_start3A_28 = arith.constant 0 : i32
      %dma_start3A_29 = tpu.memref_slice %arg10[%dma_start3A_27, %dma_start3A_28] : memref<10240x128xf32, #tpu.memory_space<vmem_shared>> -> memref<10240x128xf32, #tpu.memory_space<vmem_shared>>
      tpu.enqueue_indirect_dma source(%arg9 : memref<128x128xf32, #tpu.memory_space<vmem>>) target(%dma_start3A_29 : memref<10240x128xf32, #tpu.memory_space<vmem_shared>>) offsets(%dma_start3A_26 : memref<128xi32, #tpu.memory_space<vmem>>) semaphore(%arg12 : memref<!tpu.dma_semaphore, #tpu.memory_space<semaphore_mem>>) {add = true}
      %dma_wait3A_30 = arith.constant 0 : i32
      %dma_wait3A_31 = tpu.memref_slice %arg8[%while3A_13, %dma_wait3A_30] : memref<99x128xi32, #tpu.memory_space<vmem>> -> memref<1x128xi32, #tpu.memory_space<vmem>>
      %dma_wait3A_32 = tpu.memref_squeeze %dma_wait3A_31 : memref<1x128xi32, #tpu.memory_space<vmem>> -> memref<128xi32, #tpu.memory_space<vmem>>
      %dma_wait3A_33 = arith.constant 0 : i32
      %dma_wait3A_34 = arith.constant 0 : i32
      %dma_wait3A_35 = tpu.memref_slice %arg10[%dma_wait3A_33, %dma_wait3A_34] : memref<10240x128xf32, #tpu.memory_space<vmem_shared>> -> memref<10240x128xf32, #tpu.memory_space<vmem_shared>>
      tpu.wait_indirect_dma semaphore(%arg12 : memref<!tpu.dma_semaphore, #tpu.memory_space<semaphore_mem>>) src(%arg9 : memref<128x128xf32, #tpu.memory_space<vmem>>) dst(%dma_wait3A_35 : memref<10240x128xf32, #tpu.memory_space<vmem_shared>>)
    }
    %while3A_11 = arith.constant 1 : i32
    scf.for %while3A_13 = %while3A_9 to %while3A_5 step %while3A_11  : i32 {
      %dma_start3A = arith.constant 0 : i32
      %dma_start3A_14 = tpu.memref_slice %arg7[%while3A_13, %dma_start3A] : memref<99x128xi32, #tpu.memory_space<vmem>> -> memref<1x128xi32, #tpu.memory_space<vmem>>
      %dma_start3A_15 = tpu.memref_squeeze %dma_start3A_14 : memref<1x128xi32, #tpu.memory_space<vmem>> -> memref<128xi32, #tpu.memory_space<vmem>>
      %dma_start3A_16 = arith.constant 0 : i32
      %dma_start3A_17 = arith.constant 0 : i32
      %dma_start3A_18 = tpu.memref_slice %arg2[%dma_start3A_16, %dma_start3A_17] : memref<10000x128xf32, #tpu.memory_space<hbm>> -> memref<10000x128xf32, #tpu.memory_space<hbm>>
      tpu.enqueue_indirect_dma source(%dma_start3A_18 : memref<10000x128xf32, #tpu.memory_space<hbm>>) target(%arg9 : memref<128x128xf32, #tpu.memory_space<vmem>>) offsets(%dma_start3A_15 : memref<128xi32, #tpu.memory_space<vmem>>) semaphore(%arg11 : memref<!tpu.dma_semaphore, #tpu.memory_space<semaphore_mem>>)
      %dma_wait3A = arith.constant 0 : i32
      %dma_wait3A_19 = tpu.memref_slice %arg7[%while3A_13, %dma_wait3A] : memref<99x128xi32, #tpu.memory_space<vmem>> -> memref<1x128xi32, #tpu.memory_space<vmem>>
      %dma_wait3A_20 = tpu.memref_squeeze %dma_wait3A_19 : memref<1x128xi32, #tpu.memory_space<vmem>> -> memref<128xi32, #tpu.memory_space<vmem>>
      %dma_wait3A_21 = arith.constant 0 : i32
      %dma_wait3A_22 = arith.constant 0 : i32
      %dma_wait3A_23 = tpu.memref_slice %arg2[%dma_wait3A_21, %dma_wait3A_22] : memref<10000x128xf32, #tpu.memory_space<hbm>> -> memref<10000x128xf32, #tpu.memory_space<hbm>>
      tpu.wait_indirect_dma semaphore(%arg11 : memref<!tpu.dma_semaphore, #tpu.memory_space<semaphore_mem>>) src(%dma_wait3A_23 : memref<10000x128xf32, #tpu.memory_space<hbm>>) dst(%arg9 : memref<128x128xf32, #tpu.memory_space<vmem>>)
      %dma_start3A_24 = arith.constant 0 : i32
      %dma_start3A_25 = tpu.memref_slice %arg8[%while3A_13, %dma_start3A_24] : memref<99x128xi32, #tpu.memory_space<vmem>> -> memref<1x128xi32, #tpu.memory_space<vmem>>
      %dma_start3A_26 = tpu.memref_squeeze %dma_start3A_25 : memref<1x128xi32, #tpu.memory_space<vmem>> -> memref<128xi32, #tpu.memory_space<vmem>>
      %dma_start3A_27 = arith.constant 0 : i32
      %dma_start3A_28 = arith.constant 0 : i32
      %dma_start3A_29 = tpu.memref_slice %arg10[%dma_start3A_27, %dma_start3A_28] : memref<10240x128xf32, #tpu.memory_space<vmem_shared>> -> memref<10240x128xf32, #tpu.memory_space<vmem_shared>>
      tpu.enqueue_indirect_dma source(%arg9 : memref<128x128xf32, #tpu.memory_space<vmem>>) target(%dma_start3A_29 : memref<10240x128xf32, #tpu.memory_space<vmem_shared>>) offsets(%dma_start3A_26 : memref<128xi32, #tpu.memory_space<vmem>>) semaphore(%arg12 : memref<!tpu.dma_semaphore, #tpu.memory_space<semaphore_mem>>) {add = true}
      %dma_wait3A_30 = arith.constant 0 : i32
      %dma_wait3A_31 = tpu.memref_slice %arg8[%while3A_13, %dma_wait3A_30] : memref<99x128xi32, #tpu.memory_space<vmem>> -> memref<1x128xi32, #tpu.memory_space<vmem>>
      %dma_wait3A_32 = tpu.memref_squeeze %dma_wait3A_31 : memref<1x128xi32, #tpu.memory_space<vmem>> -> memref<128xi32, #tpu.memory_space<vmem>>
      %dma_wait3A_33 = arith.constant 0 : i32
      %dma_wait3A_34 = arith.constant 0 : i32
      %dma_wait3A_35 = tpu.memref_slice %arg10[%dma_wait3A_33, %dma_wait3A_34] : memref<10240x128xf32, #tpu.memory_space<vmem_shared>> -> memref<10240x128xf32, #tpu.memory_space<vmem_shared>>
      tpu.wait_indirect_dma semaphore(%arg12 : memref<!tpu.dma_semaphore, #tpu.memory_space<semaphore_mem>>) src(%arg9 : memref<128x128xf32, #tpu.memory_space<vmem>>) dst(%dma_wait3A_35 : memref<10240x128xf32, #tpu.memory_space<vmem_shared>>)
    }
    %barrier3A_12 = arith.constant 0 : index
    tpu.barrier barrier_id(%barrier3A_12)
    "tpu.region"() ({
      %run_scoped3A = tpu.sem_alloc : memref<!tpu.dma_semaphore, #tpu.memory_space<semaphore_mem>>
      %dma_start3A = arith.constant 0 : i32
      %dma_start3A_13 = arith.constant 0 : i32
      %dma_start3A_14 = tpu.memref_slice %arg6[%arg0, %dma_start3A, %dma_start3A_13] : memref<2x10240x128xf32, #tpu.memory_space<hbm>> -> memref<1x10240x128xf32, #tpu.memory_space<hbm>>
      %dma_start3A_15 = tpu.memref_squeeze %dma_start3A_14 : memref<1x10240x128xf32, #tpu.memory_space<hbm>> -> memref<10240x128xf32, #tpu.memory_space<hbm>>
      %dma_start3A_16 = arith.constant 0 : i32
      %dma_start3A_17 = tpu.memref_slice %dma_start3A_15[%mul3A_0, %dma_start3A_16] : memref<10240x128xf32, #tpu.memory_space<hbm>> -> memref<640x128xf32, #tpu.memory_space<hbm>>
      %dma_start3A_18 = arith.constant 0 : i32
      %dma_start3A_19 = tpu.memref_slice %arg10[%mul3A_0, %dma_start3A_18] : memref<10240x128xf32, #tpu.memory_space<vmem_shared>> -> memref<640x128xf32, #tpu.memory_space<vmem_shared>>
      tpu.enqueue_dma source(%dma_start3A_19 : memref<640x128xf32, #tpu.memory_space<vmem_shared>>) target(%dma_start3A_17 : memref<640x128xf32, #tpu.memory_space<hbm>>) target_semaphore(%run_scoped3A : memref<!tpu.dma_semaphore, #tpu.memory_space<semaphore_mem>>)
      %dma_wait3A = arith.constant 0 : i32
      %dma_wait3A_20 = arith.constant 0 : i32
      %dma_wait3A_21 = tpu.memref_slice %arg6[%arg0, %dma_wait3A, %dma_wait3A_20] : memref<2x10240x128xf32, #tpu.memory_space<hbm>> -> memref<1x10240x128xf32, #tpu.memory_space<hbm>>
      %dma_wait3A_22 = tpu.memref_squeeze %dma_wait3A_21 : memref<1x10240x128xf32, #tpu.memory_space<hbm>> -> memref<10240x128xf32, #tpu.memory_space<hbm>>
      %dma_wait3A_23 = arith.constant 0 : i32
      %dma_wait3A_24 = tpu.memref_slice %dma_wait3A_22[%mul3A_0, %dma_wait3A_23] : memref<10240x128xf32, #tpu.memory_space<hbm>> -> memref<640x128xf32, #tpu.memory_space<hbm>>
      %dma_wait3A_25 = arith.constant 0 : i32
      %dma_wait3A_26 = tpu.memref_slice %arg10[%mul3A_0, %dma_wait3A_25] : memref<10240x128xf32, #tpu.memory_space<vmem_shared>> -> memref<640x128xf32, #tpu.memory_space<vmem_shared>>
      tpu.wait_dma2 semaphore(%run_scoped3A : memref<!tpu.dma_semaphore, #tpu.memory_space<semaphore_mem>>) src(%dma_wait3A_26 : memref<640x128xf32, #tpu.memory_space<vmem_shared>>) dst(%dma_wait3A_24 : memref<640x128xf32, #tpu.memory_space<hbm>>)
      tpu.yield
    }) : () -> ()
    return
  }
}

module attributes {stable_mosaic.version = 14 : i64} {
  func.func @_embed_body(%arg0: i32, %arg1: memref<1000x128xf32, #tpu.memory_space<vmem>>, %arg2: memref<128x128xf32, #tpu.memory_space<vmem>>, %arg3: memref<128x128xf32, #tpu.memory_space<vmem>>, %arg4: memref<128x384xf32, #tpu.memory_space<vmem>>, %arg5: memref<1x384xf32, #tpu.memory_space<vmem>>, %arg6: memref<1000x128xf32, #tpu.memory_space<vmem>>, %arg7: memref<1000x128xf32, #tpu.memory_space<vmem>>, %arg8: memref<1000x384xf32, #tpu.memory_space<vmem>>) attributes {dimension_semantics = [#tpu.dimension_semantics<arbitrary>], iteration_bounds = array<i64: 10>, scalar_prefetch = 0 : i64, scratch_operands = 0 : i64, tpu.core_type = #tpu.core_type<tc>, window_params = [{transform_indices = @transform_0, window_bounds = array<i64: 1000, 128>}, {pipeline_mode = #tpu.pipeline_mode<synchronous>, transform_indices = @transform_1, window_bounds = array<i64: 128, 128>}, {pipeline_mode = #tpu.pipeline_mode<synchronous>, transform_indices = @transform_2, window_bounds = array<i64: 128, 128>}, {pipeline_mode = #tpu.pipeline_mode<synchronous>, transform_indices = @transform_3, window_bounds = array<i64: 128, 384>}, {pipeline_mode = #tpu.pipeline_mode<synchronous>, transform_indices = @transform_4, window_bounds = array<i64: 1, 384>}, {transform_indices = @transform_5, window_bounds = array<i64: 1000, 128>}, {transform_indices = @transform_6, window_bounds = array<i64: 1000, 128>}, {transform_indices = @transform_7, window_bounds = array<i64: 1000, 384>}]} {
    %get3A = arith.constant 0 : index
    %get3A_0 = arith.constant 0 : index
    %get3A_1 = vector.load %arg1[%get3A, %get3A_0] : memref<1000x128xf32, #tpu.memory_space<vmem>>, vector<1000x128xf32>
    %get3A_2 = arith.constant 0 : index
    %get3A_3 = arith.constant 0 : index
    %get3A_4 = vector.load %arg2[%get3A_2, %get3A_3] : memref<128x128xf32, #tpu.memory_space<vmem>>, vector<128x128xf32>
    %dot_general3A = arith.constant dense<0.000000e+00> : vector<1000x128xf32>
    %dot_general3A_5 = tpu.matmul %get3A_1, %get3A_4, %dot_general3A {dimension_numbers = #tpu.dot_dimension_numbers<[1], [0], [0], [1], [0, 0, 1, 1], [], []>, transpose_lhs_hint = false} : vector<1000x128xf32>, vector<128x128xf32>, vector<1000x128xf32> -> vector<1000x128xf32>
    %tanh3A = math.tanh %dot_general3A_5 : vector<1000x128xf32>
    %swap3A = arith.constant 0 : index
    %swap3A_6 = arith.constant 0 : index
    %swap3A_7 = vector.load %arg6[%swap3A, %swap3A_6] : memref<1000x128xf32, #tpu.memory_space<vmem>>, vector<1000x128xf32>
    tpu.vector_store %arg6[%swap3A, %swap3A_6], %tanh3A {strides = array<i32>} : memref<1000x128xf32, #tpu.memory_space<vmem>>, vector<1000x128xf32>,
    %get3A_8 = arith.constant 0 : index
    %get3A_9 = arith.constant 0 : index
    %get3A_10 = vector.load %arg3[%get3A_8, %get3A_9] : memref<128x128xf32, #tpu.memory_space<vmem>>, vector<128x128xf32>
    %dot_general3A_11 = arith.constant dense<0.000000e+00> : vector<1000x128xf32>
    %dot_general3A_12 = tpu.matmul %tanh3A, %get3A_10, %dot_general3A_11 {dimension_numbers = #tpu.dot_dimension_numbers<[1], [0], [0], [1], [0, 0, 1, 1], [], []>, transpose_lhs_hint = false} : vector<1000x128xf32>, vector<128x128xf32>, vector<1000x128xf32> -> vector<1000x128xf32>
    %swap3A_13 = arith.constant 0 : index
    %swap3A_14 = arith.constant 0 : index
    %swap3A_15 = vector.load %arg7[%swap3A_13, %swap3A_14] : memref<1000x128xf32, #tpu.memory_space<vmem>>, vector<1000x128xf32>
    tpu.vector_store %arg7[%swap3A_13, %swap3A_14], %dot_general3A_12 {strides = array<i32>} : memref<1000x128xf32, #tpu.memory_space<vmem>>, vector<1000x128xf32>,
    %get3A_16 = arith.constant 0 : index
    %get3A_17 = arith.constant 0 : index
    %get3A_18 = vector.load %arg4[%get3A_16, %get3A_17] : memref<128x384xf32, #tpu.memory_space<vmem>>, vector<128x384xf32>
    %dot_general3A_19 = arith.constant dense<0.000000e+00> : vector<1000x384xf32>
    %dot_general3A_20 = tpu.matmul %tanh3A, %get3A_18, %dot_general3A_19 {dimension_numbers = #tpu.dot_dimension_numbers<[1], [0], [0], [1], [0, 0, 1, 1], [], []>, transpose_lhs_hint = false} : vector<1000x128xf32>, vector<128x384xf32>, vector<1000x384xf32> -> vector<1000x384xf32>
    %get3A_21 = arith.constant 0 : index
    %get3A_22 = arith.constant 0 : index
    %get3A_23 = vector.load %arg5[%get3A_21, %get3A_22] : memref<1x384xf32, #tpu.memory_space<vmem>>, vector<1x384xf32>
    %add3A = vector.broadcast %get3A_23 : vector<1x384xf32> to vector<1000x384xf32>
    %add3A_24 = arith.addf %dot_general3A_20, %add3A : vector<1000x384xf32>
    %swap3A_25 = arith.constant 0 : index
    %swap3A_26 = arith.constant 0 : index
    %swap3A_27 = vector.load %arg8[%swap3A_25, %swap3A_26] : memref<1000x384xf32, #tpu.memory_space<vmem>>, vector<1000x384xf32>
    tpu.vector_store %arg8[%swap3A_25, %swap3A_26], %add3A_24 {strides = array<i32>} : memref<1000x384xf32, #tpu.memory_space<vmem>>, vector<1000x384xf32>,
    return
  }
  func.func @transform_0(%arg0: i32) -> (i32, i32) {
    %c0_i32 = arith.constant 0 : i32
    %c0_i32_0 = arith.constant 0 : i32
    return %arg0, %c0_i32 : i32, i32
  }
  func.func @transform_1(%arg0: i32) -> (i32, i32) {
    %c0_i32 = arith.constant 0 : i32
    %c0_i32_0 = arith.constant 0 : i32
    %c0_i32_1 = arith.constant 0 : i32
    return %c0_i32, %c0_i32_0 : i32, i32
  }
  func.func @transform_2(%arg0: i32) -> (i32, i32) {
    %c0_i32 = arith.constant 0 : i32
    %c0_i32_0 = arith.constant 0 : i32
    %c0_i32_1 = arith.constant 0 : i32
    return %c0_i32, %c0_i32_0 : i32, i32
  }
  func.func @transform_3(%arg0: i32) -> (i32, i32) {
    %c0_i32 = arith.constant 0 : i32
    %c0_i32_0 = arith.constant 0 : i32
    %c0_i32_1 = arith.constant 0 : i32
    return %c0_i32, %c0_i32_0 : i32, i32
  }
  func.func @transform_4(%arg0: i32) -> (i32, i32) {
    %c0_i32 = arith.constant 0 : i32
    %c0_i32_0 = arith.constant 0 : i32
    %c0_i32_1 = arith.constant 0 : i32
    return %c0_i32, %c0_i32_0 : i32, i32
  }
  func.func @transform_5(%arg0: i32) -> (i32, i32) {
    %c0_i32 = arith.constant 0 : i32
    %c0_i32_0 = arith.constant 0 : i32
    return %arg0, %c0_i32 : i32, i32
  }
  func.func @transform_6(%arg0: i32) -> (i32, i32) {
    %c0_i32 = arith.constant 0 : i32
    %c0_i32_0 = arith.constant 0 : i32
    return %arg0, %c0_i32 : i32, i32
  }
  func.func @transform_7(%arg0: i32) -> (i32, i32) {
    %c0_i32 = arith.constant 0 : i32
    %c0_i32_0 = arith.constant 0 : i32
    return %arg0, %c0_i32 : i32, i32
  }
}

module attributes {stable_mosaic.version = 14 : i64} {
  func.func @_gru_body(%arg0: i32, %arg1: memref<1000x128xf32, #tpu.memory_space<vmem>>, %arg2: memref<2x1000x128xf32, #tpu.memory_space<vmem>>, %arg3: memref<1000x384xf32, #tpu.memory_space<vmem>>, %arg4: memref<128x384xf32, #tpu.memory_space<vmem>>, %arg5: memref<1x384xf32, #tpu.memory_space<vmem>>, %arg6: memref<128x128xf32, #tpu.memory_space<vmem>>, %arg7: memref<128x384xf32, #tpu.memory_space<vmem>>, %arg8: memref<1x384xf32, #tpu.memory_space<vmem>>, %arg9: memref<1000x128xf32, #tpu.memory_space<vmem>>, %arg10: memref<1000x128xf32, #tpu.memory_space<vmem>>, %arg11: memref<1000x384xf32, #tpu.memory_space<vmem>>) attributes {dimension_semantics = [#tpu.dimension_semantics<arbitrary>], iteration_bounds = array<i64: 10>, scalar_prefetch = 0 : i64, scratch_operands = 0 : i64, tpu.core_type = #tpu.core_type<tc>, window_params = [{transform_indices = @transform_0, window_bounds = array<i64: 1000, 128>}, {transform_indices = @transform_1, window_bounds = array<i64: 2, 1000, 128>}, {transform_indices = @transform_2, window_bounds = array<i64: 1000, 384>}, {pipeline_mode = #tpu.pipeline_mode<synchronous>, transform_indices = @transform_3, window_bounds = array<i64: 128, 384>}, {pipeline_mode = #tpu.pipeline_mode<synchronous>, transform_indices = @transform_4, window_bounds = array<i64: 1, 384>}, {pipeline_mode = #tpu.pipeline_mode<synchronous>, transform_indices = @transform_5, window_bounds = array<i64: 128, 128>}, {pipeline_mode = #tpu.pipeline_mode<synchronous>, transform_indices = @transform_6, window_bounds = array<i64: 128, 384>}, {pipeline_mode = #tpu.pipeline_mode<synchronous>, transform_indices = @transform_7, window_bounds = array<i64: 1, 384>}, {transform_indices = @transform_8, window_bounds = array<i64: 1000, 128>}, {transform_indices = @transform_9, window_bounds = array<i64: 1000, 128>}, {transform_indices = @transform_10, window_bounds = array<i64: 1000, 384>}]} {
    %get3A = arith.constant 0 : index
    %get3A_0 = arith.constant 0 : index
    %get3A_1 = arith.constant 0 : index
    %get3A_2 = vector.load %arg2[%get3A, %get3A_0, %get3A_1] : memref<2x1000x128xf32, #tpu.memory_space<vmem>>, vector<1x1000x128xf32>
    %get3A_3 = vector.shape_cast %get3A_2 : vector<1x1000x128xf32> to vector<1000x128xf32>
    %get3A_4 = arith.constant 1 : index
    %get3A_5 = arith.constant 0 : index
    %get3A_6 = arith.constant 0 : index
    %get3A_7 = vector.load %arg2[%get3A_4, %get3A_5, %get3A_6] : memref<2x1000x128xf32, #tpu.memory_space<vmem>>, vector<1x1000x128xf32>
    %get3A_8 = vector.shape_cast %get3A_7 : vector<1x1000x128xf32> to vector<1000x128xf32>
    %add3A = arith.addf %get3A_3, %get3A_8 : vector<1000x128xf32>
    %get3A_9 = arith.constant 0 : index
    %get3A_10 = arith.constant 0 : index
    %get3A_11 = vector.load %arg4[%get3A_9, %get3A_10] : memref<128x384xf32, #tpu.memory_space<vmem>>, vector<128x384xf32>
    %dot_general3A = arith.constant dense<0.000000e+00> : vector<1000x384xf32>
    %dot_general3A_12 = tpu.matmul %add3A, %get3A_11, %dot_general3A {dimension_numbers = #tpu.dot_dimension_numbers<[1], [0], [0], [1], [0, 0, 1, 1], [], []>, transpose_lhs_hint = false} : vector<1000x128xf32>, vector<128x384xf32>, vector<1000x384xf32> -> vector<1000x384xf32>
    %get3A_13 = arith.constant 0 : index
    %get3A_14 = arith.constant 0 : index
    %get3A_15 = vector.load %arg5[%get3A_13, %get3A_14] : memref<1x384xf32, #tpu.memory_space<vmem>>, vector<1x384xf32>
    %add3A_16 = vector.broadcast %get3A_15 : vector<1x384xf32> to vector<1000x384xf32>
    %add3A_17 = arith.addf %dot_general3A_12, %add3A_16 : vector<1000x384xf32>
    %get3A_18 = arith.constant 0 : index
    %get3A_19 = arith.constant 0 : index
    %get3A_20 = vector.load %arg3[%get3A_18, %get3A_19] : memref<1000x384xf32, #tpu.memory_space<vmem>>, vector<1000x384xf32>
    %get3A_21 = arith.constant 0 : index
    %get3A_22 = arith.constant 0 : index
    %get3A_23 = vector.load %arg1[%get3A_21, %get3A_22] : memref<1000x128xf32, #tpu.memory_space<vmem>>, vector<1000x128xf32>
    %slice3A = vector.extract_strided_slice %add3A_17 {offsets = [0, 0], sizes = [1000, 128], strides = [1, 1]} : vector<1000x384xf32> to vector<1000x128xf32>
    %slice3A_24 = vector.extract_strided_slice %get3A_20 {offsets = [0, 0], sizes = [1000, 128], strides = [1, 1]} : vector<1000x384xf32> to vector<1000x128xf32>
    %add3A_25 = arith.addf %slice3A, %slice3A_24 : vector<1000x128xf32>
    %logistic3A = arith.negf %add3A_25 : vector<1000x128xf32>
    %logistic3A_26 = math.exp %logistic3A : vector<1000x128xf32>
    %logistic3A_27 = arith.constant 1.000000e+00 : f32
    %logistic3A_28 = vector.broadcast %logistic3A_27 : f32 to vector<1000x128xf32>
    %logistic3A_29 = arith.addf %logistic3A_28, %logistic3A_26 : vector<1000x128xf32>
    %logistic3A_30 = arith.divf %logistic3A_28, %logistic3A_29 : vector<1000x128xf32>
    %slice3A_31 = vector.extract_strided_slice %add3A_17 {offsets = [0, 128], sizes = [1000, 128], strides = [1, 1]} : vector<1000x384xf32> to vector<1000x128xf32>
    %slice3A_32 = vector.extract_strided_slice %get3A_20 {offsets = [0, 128], sizes = [1000, 128], strides = [1, 1]} : vector<1000x384xf32> to vector<1000x128xf32>
    %add3A_33 = arith.addf %slice3A_31, %slice3A_32 : vector<1000x128xf32>
    %logistic3A_34 = arith.negf %add3A_33 : vector<1000x128xf32>
    %logistic3A_35 = math.exp %logistic3A_34 : vector<1000x128xf32>
    %logistic3A_36 = arith.constant 1.000000e+00 : f32
    %logistic3A_37 = vector.broadcast %logistic3A_36 : f32 to vector<1000x128xf32>
    %logistic3A_38 = arith.addf %logistic3A_37, %logistic3A_35 : vector<1000x128xf32>
    %logistic3A_39 = arith.divf %logistic3A_37, %logistic3A_38 : vector<1000x128xf32>
    %slice3A_40 = vector.extract_strided_slice %add3A_17 {offsets = [0, 256], sizes = [1000, 128], strides = [1, 1]} : vector<1000x384xf32> to vector<1000x128xf32>
    %slice3A_41 = vector.extract_strided_slice %get3A_20 {offsets = [0, 256], sizes = [1000, 128], strides = [1, 1]} : vector<1000x384xf32> to vector<1000x128xf32>
    %mul3A = arith.mulf %logistic3A_30, %slice3A_41 : vector<1000x128xf32>
    %add3A_42 = arith.addf %slice3A_40, %mul3A : vector<1000x128xf32>
    %tanh3A = math.tanh %add3A_42 : vector<1000x128xf32>
    %sub3A = arith.constant 1.000000e+00 : f32
    %sub3A_43 = vector.broadcast %sub3A : f32 to vector<1000x128xf32>
    %sub3A_44 = arith.subf %sub3A_43, %logistic3A_39 : vector<1000x128xf32>
    %mul3A_45 = arith.mulf %sub3A_44, %tanh3A : vector<1000x128xf32>
    %mul3A_46 = arith.mulf %logistic3A_39, %get3A_23 : vector<1000x128xf32>
    %add3A_47 = arith.addf %mul3A_45, %mul3A_46 : vector<1000x128xf32>
    %swap3A = arith.constant 0 : index
    %swap3A_48 = arith.constant 0 : index
    %swap3A_49 = vector.load %arg9[%swap3A, %swap3A_48] : memref<1000x128xf32, #tpu.memory_space<vmem>>, vector<1000x128xf32>
    tpu.vector_store %arg9[%swap3A, %swap3A_48], %add3A_47 {strides = array<i32>} : memref<1000x128xf32, #tpu.memory_space<vmem>>, vector<1000x128xf32>,
    %get3A_50 = arith.constant 0 : index
    %get3A_51 = arith.constant 0 : index
    %get3A_52 = vector.load %arg6[%get3A_50, %get3A_51] : memref<128x128xf32, #tpu.memory_space<vmem>>, vector<128x128xf32>
    %dot_general3A_53 = arith.constant dense<0.000000e+00> : vector<1000x128xf32>
    %dot_general3A_54 = tpu.matmul %add3A_47, %get3A_52, %dot_general3A_53 {dimension_numbers = #tpu.dot_dimension_numbers<[1], [0], [0], [1], [0, 0, 1, 1], [], []>, transpose_lhs_hint = false} : vector<1000x128xf32>, vector<128x128xf32>, vector<1000x128xf32> -> vector<1000x128xf32>
    %swap3A_55 = arith.constant 0 : index
    %swap3A_56 = arith.constant 0 : index
    %swap3A_57 = vector.load %arg10[%swap3A_55, %swap3A_56] : memref<1000x128xf32, #tpu.memory_space<vmem>>, vector<1000x128xf32>
    tpu.vector_store %arg10[%swap3A_55, %swap3A_56], %dot_general3A_54 {strides = array<i32>} : memref<1000x128xf32, #tpu.memory_space<vmem>>, vector<1000x128xf32>,
    %get3A_58 = arith.constant 0 : index
    %get3A_59 = arith.constant 0 : index
    %get3A_60 = vector.load %arg7[%get3A_58, %get3A_59] : memref<128x384xf32, #tpu.memory_space<vmem>>, vector<128x384xf32>
    %dot_general3A_61 = arith.constant dense<0.000000e+00> : vector<1000x384xf32>
    %dot_general3A_62 = tpu.matmul %add3A_47, %get3A_60, %dot_general3A_61 {dimension_numbers = #tpu.dot_dimension_numbers<[1], [0], [0], [1], [0, 0, 1, 1], [], []>, transpose_lhs_hint = false} : vector<1000x128xf32>, vector<128x384xf32>, vector<1000x384xf32> -> vector<1000x384xf32>
    %get3A_63 = arith.constant 0 : index
    %get3A_64 = arith.constant 0 : index
    %get3A_65 = vector.load %arg8[%get3A_63, %get3A_64] : memref<1x384xf32, #tpu.memory_space<vmem>>, vector<1x384xf32>
    %add3A_66 = vector.broadcast %get3A_65 : vector<1x384xf32> to vector<1000x384xf32>
    %add3A_67 = arith.addf %dot_general3A_62, %add3A_66 : vector<1000x384xf32>
    %swap3A_68 = arith.constant 0 : index
    %swap3A_69 = arith.constant 0 : index
    %swap3A_70 = vector.load %arg11[%swap3A_68, %swap3A_69] : memref<1000x384xf32, #tpu.memory_space<vmem>>, vector<1000x384xf32>
    tpu.vector_store %arg11[%swap3A_68, %swap3A_69], %add3A_67 {strides = array<i32>} : memref<1000x384xf32, #tpu.memory_space<vmem>>, vector<1000x384xf32>,
    return
  }
  func.func @transform_0(%arg0: i32) -> (i32, i32) {
    %c0_i32 = arith.constant 0 : i32
    %c0_i32_0 = arith.constant 0 : i32
    return %arg0, %c0_i32 : i32, i32
  }
  func.func @transform_1(%arg0: i32) -> (i32, i32, i32) {
    %c0_i32 = arith.constant 0 : i32
    %c0_i32_0 = arith.constant 0 : i32
    %c0_i32_1 = arith.constant 0 : i32
    return %c0_i32, %arg0, %c0_i32_0 : i32, i32, i32
  }
  func.func @transform_2(%arg0: i32) -> (i32, i32) {
    %c0_i32 = arith.constant 0 : i32
    %c0_i32_0 = arith.constant 0 : i32
    return %arg0, %c0_i32 : i32, i32
  }
  func.func @transform_3(%arg0: i32) -> (i32, i32) {
    %c0_i32 = arith.constant 0 : i32
    %c0_i32_0 = arith.constant 0 : i32
    %c0_i32_1 = arith.constant 0 : i32
    return %c0_i32, %c0_i32_0 : i32, i32
  }
  func.func @transform_4(%arg0: i32) -> (i32, i32) {
    %c0_i32 = arith.constant 0 : i32
    %c0_i32_0 = arith.constant 0 : i32
    %c0_i32_1 = arith.constant 0 : i32
    return %c0_i32, %c0_i32_0 : i32, i32
  }
  func.func @transform_5(%arg0: i32) -> (i32, i32) {
    %c0_i32 = arith.constant 0 : i32
    %c0_i32_0 = arith.constant 0 : i32
    %c0_i32_1 = arith.constant 0 : i32
    return %c0_i32, %c0_i32_0 : i32, i32
  }
  func.func @transform_6(%arg0: i32) -> (i32, i32) {
    %c0_i32 = arith.constant 0 : i32
    %c0_i32_0 = arith.constant 0 : i32
    %c0_i32_1 = arith.constant 0 : i32
    return %c0_i32, %c0_i32_0 : i32, i32
  }
  func.func @transform_7(%arg0: i32) -> (i32, i32) {
    %c0_i32 = arith.constant 0 : i32
    %c0_i32_0 = arith.constant 0 : i32
    %c0_i32_1 = arith.constant 0 : i32
    return %c0_i32, %c0_i32_0 : i32, i32
  }
  func.func @transform_8(%arg0: i32) -> (i32, i32) {
    %c0_i32 = arith.constant 0 : i32
    %c0_i32_0 = arith.constant 0 : i32
    return %arg0, %c0_i32 : i32, i32
  }
  func.func @transform_9(%arg0: i32) -> (i32, i32) {
    %c0_i32 = arith.constant 0 : i32
    %c0_i32_0 = arith.constant 0 : i32
    return %arg0, %c0_i32 : i32, i32
  }
  func.func @transform_10(%arg0: i32) -> (i32, i32) {
    %c0_i32 = arith.constant 0 : i32
    %c0_i32_0 = arith.constant 0 : i32
    return %arg0, %c0_i32 : i32, i32
  }
}

module attributes {stable_mosaic.version = 14 : i64} {
  func.func @_pool_body(%arg0: i32, %arg1: memref<1000x128xf32, #tpu.memory_space<vmem>>, %arg2: memref<2x1000x128xf32, #tpu.memory_space<vmem>>, %arg3: memref<1000x384xf32, #tpu.memory_space<vmem>>, %arg4: memref<128x384xf32, #tpu.memory_space<vmem>>, %arg5: memref<1x384xf32, #tpu.memory_space<vmem>>, %arg6: memref<1x1x1000xi32, #tpu.memory_space<vmem>>, %arg7: memref<128x1xf32, #tpu.memory_space<vmem>>, %arg8: memref<1x1xf32, #tpu.memory_space<vmem>>, %arg9: memref<64x1xf32, #tpu.memory_space<vmem>>, %arg10: memref<64x128xf32, #tpu.memory_space<vmem>>, %arg11: memref<8x64xf32, #tpu.memory_space<vmem>>) attributes {dimension_semantics = [#tpu.dimension_semantics<arbitrary>], iteration_bounds = array<i64: 10>, scalar_prefetch = 0 : i64, scratch_operands = 2 : i64, tpu.core_type = #tpu.core_type<tc>, window_params = [{transform_indices = @transform_0, window_bounds = array<i64: 1000, 128>}, {transform_indices = @transform_1, window_bounds = array<i64: 2, 1000, 128>}, {transform_indices = @transform_2, window_bounds = array<i64: 1000, 384>}, {pipeline_mode = #tpu.pipeline_mode<synchronous>, transform_indices = @transform_3, window_bounds = array<i64: 128, 384>}, {pipeline_mode = #tpu.pipeline_mode<synchronous>, transform_indices = @transform_4, window_bounds = array<i64: 1, 384>}, {transform_indices = @transform_5, window_bounds = array<i64: 1, 1, 1000>}, {pipeline_mode = #tpu.pipeline_mode<synchronous>, transform_indices = @transform_6, window_bounds = array<i64: 128, 1>}, {pipeline_mode = #tpu.pipeline_mode<synchronous>, transform_indices = @transform_7, window_bounds = array<i64: 1, 1>}, {pipeline_mode = #tpu.pipeline_mode<synchronous>, transform_indices = @transform_8, window_bounds = array<i64: 64, 1>}]} {
    %get3A = arith.constant 0 : index
    %get3A_0 = arith.constant 0 : index
    %get3A_1 = arith.constant 0 : index
    %get3A_2 = vector.load %arg2[%get3A, %get3A_0, %get3A_1] : memref<2x1000x128xf32, #tpu.memory_space<vmem>>, vector<1x1000x128xf32>
    %get3A_3 = vector.shape_cast %get3A_2 : vector<1x1000x128xf32> to vector<1000x128xf32>
    %get3A_4 = arith.constant 1 : index
    %get3A_5 = arith.constant 0 : index
    %get3A_6 = arith.constant 0 : index
    %get3A_7 = vector.load %arg2[%get3A_4, %get3A_5, %get3A_6] : memref<2x1000x128xf32, #tpu.memory_space<vmem>>, vector<1x1000x128xf32>
    %get3A_8 = vector.shape_cast %get3A_7 : vector<1x1000x128xf32> to vector<1000x128xf32>
    %add3A = arith.addf %get3A_3, %get3A_8 : vector<1000x128xf32>
    %get3A_9 = arith.constant 0 : index
    %get3A_10 = arith.constant 0 : index
    %get3A_11 = vector.load %arg4[%get3A_9, %get3A_10] : memref<128x384xf32, #tpu.memory_space<vmem>>, vector<128x384xf32>
    %dot_general3A = arith.constant dense<0.000000e+00> : vector<1000x384xf32>
    %dot_general3A_12 = tpu.matmul %add3A, %get3A_11, %dot_general3A {dimension_numbers = #tpu.dot_dimension_numbers<[1], [0], [0], [1], [0, 0, 1, 1], [], []>, transpose_lhs_hint = false} : vector<1000x128xf32>, vector<128x384xf32>, vector<1000x384xf32> -> vector<1000x384xf32>
    %get3A_13 = arith.constant 0 : index
    %get3A_14 = arith.constant 0 : index
    %get3A_15 = vector.load %arg5[%get3A_13, %get3A_14] : memref<1x384xf32, #tpu.memory_space<vmem>>, vector<1x384xf32>
    %add3A_16 = vector.broadcast %get3A_15 : vector<1x384xf32> to vector<1000x384xf32>
    %add3A_17 = arith.addf %dot_general3A_12, %add3A_16 : vector<1000x384xf32>
    %get3A_18 = arith.constant 0 : index
    %get3A_19 = arith.constant 0 : index
    %get3A_20 = vector.load %arg3[%get3A_18, %get3A_19] : memref<1000x384xf32, #tpu.memory_space<vmem>>, vector<1000x384xf32>
    %get3A_21 = arith.constant 0 : index
    %get3A_22 = arith.constant 0 : index
    %get3A_23 = vector.load %arg1[%get3A_21, %get3A_22] : memref<1000x128xf32, #tpu.memory_space<vmem>>, vector<1000x128xf32>
    %slice3A = vector.extract_strided_slice %add3A_17 {offsets = [0, 0], sizes = [1000, 128], strides = [1, 1]} : vector<1000x384xf32> to vector<1000x128xf32>
    %slice3A_24 = vector.extract_strided_slice %get3A_20 {offsets = [0, 0], sizes = [1000, 128], strides = [1, 1]} : vector<1000x384xf32> to vector<1000x128xf32>
    %add3A_25 = arith.addf %slice3A, %slice3A_24 : vector<1000x128xf32>
    %logistic3A = arith.negf %add3A_25 : vector<1000x128xf32>
    %logistic3A_26 = math.exp %logistic3A : vector<1000x128xf32>
    %logistic3A_27 = arith.constant 1.000000e+00 : f32
    %logistic3A_28 = vector.broadcast %logistic3A_27 : f32 to vector<1000x128xf32>
    %logistic3A_29 = arith.addf %logistic3A_28, %logistic3A_26 : vector<1000x128xf32>
    %logistic3A_30 = arith.divf %logistic3A_28, %logistic3A_29 : vector<1000x128xf32>
    %slice3A_31 = vector.extract_strided_slice %add3A_17 {offsets = [0, 128], sizes = [1000, 128], strides = [1, 1]} : vector<1000x384xf32> to vector<1000x128xf32>
    %slice3A_32 = vector.extract_strided_slice %get3A_20 {offsets = [0, 128], sizes = [1000, 128], strides = [1, 1]} : vector<1000x384xf32> to vector<1000x128xf32>
    %add3A_33 = arith.addf %slice3A_31, %slice3A_32 : vector<1000x128xf32>
    %logistic3A_34 = arith.negf %add3A_33 : vector<1000x128xf32>
    %logistic3A_35 = math.exp %logistic3A_34 : vector<1000x128xf32>
    %logistic3A_36 = arith.constant 1.000000e+00 : f32
    %logistic3A_37 = vector.broadcast %logistic3A_36 : f32 to vector<1000x128xf32>
    %logistic3A_38 = arith.addf %logistic3A_37, %logistic3A_35 : vector<1000x128xf32>
    %logistic3A_39 = arith.divf %logistic3A_37, %logistic3A_38 : vector<1000x128xf32>
    %slice3A_40 = vector.extract_strided_slice %add3A_17 {offsets = [0, 256], sizes = [1000, 128], strides = [1, 1]} : vector<1000x384xf32> to vector<1000x128xf32>
    %slice3A_41 = vector.extract_strided_slice %get3A_20 {offsets = [0, 256], sizes = [1000, 128], strides = [1, 1]} : vector<1000x384xf32> to vector<1000x128xf32>
    %mul3A = arith.mulf %logistic3A_30, %slice3A_41 : vector<1000x128xf32>
    %add3A_42 = arith.addf %slice3A_40, %mul3A : vector<1000x128xf32>
    %tanh3A = math.tanh %add3A_42 : vector<1000x128xf32>
    %sub3A = arith.constant 1.000000e+00 : f32
    %sub3A_43 = vector.broadcast %sub3A : f32 to vector<1000x128xf32>
    %sub3A_44 = arith.subf %sub3A_43, %logistic3A_39 : vector<1000x128xf32>
    %mul3A_45 = arith.mulf %sub3A_44, %tanh3A : vector<1000x128xf32>
    %mul3A_46 = arith.mulf %logistic3A_39, %get3A_23 : vector<1000x128xf32>
    %add3A_47 = arith.addf %mul3A_45, %mul3A_46 : vector<1000x128xf32>
    %get3A_48 = arith.constant 0 : index
    %get3A_49 = arith.constant 0 : index
    %get3A_50 = arith.constant 0 : index
    %get3A_51 = vector.load %arg6[%get3A_48, %get3A_49, %get3A_50] : memref<1x1x1000xi32, #tpu.memory_space<vmem>>, vector<1x1x1000xi32>
    %get3A_52 = vector.shape_cast %get3A_51 : vector<1x1x1000xi32> to vector<1000xi32>
    %broadcast_in_dim3A = vector.shape_cast %get3A_52 : vector<1000xi32> to vector<1000x1xi32>
    %iota3A = tpu.iota {dimensions = array<i32: 1>} : vector<1000x64xi32>
    %eq3A = vector.broadcast %broadcast_in_dim3A : vector<1000x1xi32> to vector<1000x64xi32>
    %eq3A_53 = arith.cmpi eq, %eq3A, %iota3A : vector<1000x64xi32>
    %convert_element_type3A = arith.extui %eq3A_53 : vector<1000x64xi1> to vector<1000x64xi32>
    %convert_element_type3A_54 = arith.sitofp %convert_element_type3A : vector<1000x64xi32> to vector<1000x64xf32>
    %eq3A_55 = arith.constant 0 : i32
    %eq3A_56 = arith.cmpi eq, %arg0, %eq3A_55 : i32
    %convert_element_type3A_57 = arith.extui %eq3A_56 : i1 to i32
    %cond3A = arith.constant 0 : i32
    %cond3A_58 = arith.cmpi ne, %convert_element_type3A_57, %cond3A : i32
    scf.if %cond3A_58 {
      %broadcast_in_dim3A_83 = arith.constant 0.000000e+00 : f32
      %broadcast_in_dim3A_84 = vector.broadcast %broadcast_in_dim3A_83 : f32 to vector<64x128xf32>
      %swap3A_85 = arith.constant 0 : index
      %swap3A_86 = arith.constant 0 : index
      %swap3A_87 = vector.load %arg10[%swap3A_85, %swap3A_86] : memref<64x128xf32, #tpu.memory_space<vmem>>, vector<64x128xf32>
      tpu.vector_store %arg10[%swap3A_85, %swap3A_86], %broadcast_in_dim3A_84 {strides = array<i32>} : memref<64x128xf32, #tpu.memory_space<vmem>>, vector<64x128xf32>,
      %broadcast_in_dim3A_88 = arith.constant 0.000000e+00 : f32
      %broadcast_in_dim3A_89 = vector.broadcast %broadcast_in_dim3A_88 : f32 to vector<8x64xf32>
      %swap3A_90 = arith.constant 0 : index
      %swap3A_91 = arith.constant 0 : index
      %swap3A_92 = vector.load %arg11[%swap3A_90, %swap3A_91] : memref<8x64xf32, #tpu.memory_space<vmem>>, vector<8x64xf32>
      tpu.vector_store %arg11[%swap3A_90, %swap3A_91], %broadcast_in_dim3A_89 {strides = array<i32>} : memref<8x64xf32, #tpu.memory_space<vmem>>, vector<8x64xf32>,
    } else {
    }
    %get3A_59 = arith.constant 0 : index
    %get3A_60 = arith.constant 0 : index
    %get3A_61 = vector.load %arg10[%get3A_59, %get3A_60] : memref<64x128xf32, #tpu.memory_space<vmem>>, vector<64x128xf32>
    %dot_general3A_62 = arith.constant dense<0.000000e+00> : vector<64x128xf32>
    %dot_general3A_63 = tpu.matmul %convert_element_type3A_54, %add3A_47, %dot_general3A_62 {dimension_numbers = #tpu.dot_dimension_numbers<[0], [0], [1], [1], [0, 1, 1, 1], [], []>, transpose_lhs_hint = false} : vector<1000x64xf32>, vector<1000x128xf32>, vector<64x128xf32> -> vector<64x128xf32>
    %add3A_64 = arith.addf %get3A_61, %dot_general3A_63 : vector<64x128xf32>
    %swap3A = arith.constant 0 : index
    %swap3A_65 = arith.constant 0 : index
    %swap3A_66 = vector.load %arg10[%swap3A, %swap3A_65] : memref<64x128xf32, #tpu.memory_space<vmem>>, vector<64x128xf32>
    tpu.vector_store %arg10[%swap3A, %swap3A_65], %add3A_64 {strides = array<i32>} : memref<64x128xf32, #tpu.memory_space<vmem>>, vector<64x128xf32>,
    %get3A_67 = arith.constant 0 : index
    %get3A_68 = arith.constant 0 : index
    %get3A_69 = vector.load %arg11[%get3A_67, %get3A_68] : memref<8x64xf32, #tpu.memory_space<vmem>>, vector<1x64xf32>
    %get3A_70 = vector.shape_cast %get3A_69 : vector<1x64xf32> to vector<64xf32>
    %reduce_sum3A = arith.constant dense<0.000000e+00> : vector<64xf32>
    %reduce_sum3A_71 = vector.multi_reduction <add>, %convert_element_type3A_54, %reduce_sum3A [0] : vector<1000x64xf32> to vector<64xf32>
    %add3A_72 = arith.addf %get3A_70, %reduce_sum3A_71 : vector<64xf32>
    %swap3A_73 = arith.constant 0 : index
    %swap3A_74 = arith.constant 0 : index
    %swap3A_75 = vector.load %arg11[%swap3A_73, %swap3A_74] : memref<8x64xf32, #tpu.memory_space<vmem>>, vector<1x64xf32>
    %swap3A_76 = vector.shape_cast %swap3A_75 : vector<1x64xf32> to vector<64xf32>
    %swap3A_77 = vector.shape_cast %add3A_72 : vector<64xf32> to vector<1x64xf32>
    tpu.vector_store %arg11[%swap3A_73, %swap3A_74], %swap3A_77 {strides = array<i32>} : memref<8x64xf32, #tpu.memory_space<vmem>>, vector<1x64xf32>,
    %eq3A_78 = arith.constant 9 : i32
    %eq3A_79 = arith.cmpi eq, %arg0, %eq3A_78 : i32
    %convert_element_type3A_80 = arith.extui %eq3A_79 : i1 to i32
    %cond3A_81 = arith.constant 0 : i32
    %cond3A_82 = arith.cmpi ne, %convert_element_type3A_80, %cond3A_81 : i32
    scf.if %cond3A_82 {
      %get3A_83 = arith.constant 0 : index
      %get3A_84 = arith.constant 0 : index
      %get3A_85 = vector.load %arg10[%get3A_83, %get3A_84] : memref<64x128xf32, #tpu.memory_space<vmem>>, vector<64x128xf32>
      %get3A_86 = arith.constant 0 : index
      %get3A_87 = arith.constant 0 : index
      %get3A_88 = vector.load %arg11[%get3A_86, %get3A_87] : memref<8x64xf32, #tpu.memory_space<vmem>>, vector<1x64xf32>
      %get3A_89 = vector.shape_cast %get3A_88 : vector<1x64xf32> to vector<64xf32>
      %max3A = arith.constant 1.000000e+00 : f32
      %max3A_90 = vector.broadcast %max3A : f32 to vector<64xf32>
      %max3A_91 = arith.maximumf %get3A_89, %max3A_90 : vector<64xf32>
      %broadcast_in_dim3A_92 = vector.shape_cast %max3A_91 : vector<64xf32> to vector<64x1xf32>
      %div3A = vector.broadcast %broadcast_in_dim3A_92 : vector<64x1xf32> to vector<64x128xf32>
      %div3A_93 = arith.divf %get3A_85, %div3A : vector<64x128xf32>
      %max3A_94 = arith.constant 0.000000e+00 : f32
      %max3A_95 = vector.broadcast %max3A_94 : f32 to vector<64x128xf32>
      %max3A_96 = arith.maximumf %div3A_93, %max3A_95 : vector<64x128xf32>
      %get3A_97 = arith.constant 0 : index
      %get3A_98 = arith.constant 0 : index
      %get3A_99 = vector.load %arg7[%get3A_97, %get3A_98] : memref<128x1xf32, #tpu.memory_space<vmem>>, vector<128x1xf32>
      %dot_general3A_100 = arith.constant dense<0.000000e+00> : vector<64x1xf32>
      %dot_general3A_101 = tpu.matmul %max3A_96, %get3A_99, %dot_general3A_100 {dimension_numbers = #tpu.dot_dimension_numbers<[1], [0], [0], [1], [0, 0, 1, 1], [], []>, transpose_lhs_hint = false} : vector<64x128xf32>, vector<128x1xf32>, vector<64x1xf32> -> vector<64x1xf32>
      %get3A_102 = arith.constant 0 : index
      %get3A_103 = arith.constant 0 : index
      %get3A_104 = vector.load %arg8[%get3A_102, %get3A_103] : memref<1x1xf32, #tpu.memory_space<vmem>>, vector<1x1xf32>
      %add3A_105 = vector.broadcast %get3A_104 : vector<1x1xf32> to vector<64x1xf32>
      %add3A_106 = arith.addf %dot_general3A_101, %add3A_105 : vector<64x1xf32>
      %swap3A_107 = arith.constant 0 : index
      %swap3A_108 = arith.constant 0 : index
      %swap3A_109 = vector.load %arg9[%swap3A_107, %swap3A_108] : memref<64x1xf32, #tpu.memory_space<vmem>>, vector<64x1xf32>
      tpu.vector_store %arg9[%swap3A_107, %swap3A_108], %add3A_106 {strides = array<i32>} : memref<64x1xf32, #tpu.memory_space<vmem>>, vector<64x1xf32>,
    } else {
    }
    return
  }
  func.func @transform_0(%arg0: i32) -> (i32, i32) {
    %c0_i32 = arith.constant 0 : i32
    %c0_i32_0 = arith.constant 0 : i32
    return %arg0, %c0_i32 : i32, i32
  }
  func.func @transform_1(%arg0: i32) -> (i32, i32, i32) {
    %c0_i32 = arith.constant 0 : i32
    %c0_i32_0 = arith.constant 0 : i32
    %c0_i32_1 = arith.constant 0 : i32
    return %c0_i32, %arg0, %c0_i32_0 : i32, i32, i32
  }
  func.func @transform_2(%arg0: i32) -> (i32, i32) {
    %c0_i32 = arith.constant 0 : i32
    %c0_i32_0 = arith.constant 0 : i32
    return %arg0, %c0_i32 : i32, i32
  }
  func.func @transform_3(%arg0: i32) -> (i32, i32) {
    %c0_i32 = arith.constant 0 : i32
    %c0_i32_0 = arith.constant 0 : i32
    %c0_i32_1 = arith.constant 0 : i32
    return %c0_i32, %c0_i32_0 : i32, i32
  }
  func.func @transform_4(%arg0: i32) -> (i32, i32) {
    %c0_i32 = arith.constant 0 : i32
    %c0_i32_0 = arith.constant 0 : i32
    %c0_i32_1 = arith.constant 0 : i32
    return %c0_i32, %c0_i32_0 : i32, i32
  }
  func.func @transform_5(%arg0: i32) -> (i32, i32, i32) {
    %c0_i32 = arith.constant 0 : i32
    %c0_i32_0 = arith.constant 0 : i32
    %c0_i32_1 = arith.constant 0 : i32
    return %arg0, %c0_i32, %c0_i32_0 : i32, i32, i32
  }
  func.func @transform_6(%arg0: i32) -> (i32, i32) {
    %c0_i32 = arith.constant 0 : i32
    %c0_i32_0 = arith.constant 0 : i32
    %c0_i32_1 = arith.constant 0 : i32
    return %c0_i32, %c0_i32_0 : i32, i32
  }
  func.func @transform_7(%arg0: i32) -> (i32, i32) {
    %c0_i32 = arith.constant 0 : i32
    %c0_i32_0 = arith.constant 0 : i32
    %c0_i32_1 = arith.constant 0 : i32
    return %c0_i32, %c0_i32_0 : i32, i32
  }
  func.func @transform_8(%arg0: i32) -> (i32, i32) {
    %c0_i32 = arith.constant 0 : i32
    %c0_i32_0 = arith.constant 0 : i32
    %c0_i32_1 = arith.constant 0 : i32
    return %c0_i32, %c0_i32_0 : i32, i32
  }
}

</mosaic_0001>

<sc_bundles>
// kernel: kernel.11.cloned.1.call-start
scs
__scs_entry_jumppad:
0x0: {  	(pc) =	sbr.rel $0x88, $3  }
0x1: {  	(tag) =	ssettag $0x0;
	lr =	simm.s32 $0x1  }
0x2: {  	[smem:$0x3F96] =	sst lr;
	_ =	strace $0xD0000000  }
0x3: {  	_ = 	snop  }
0x4: {  	_ = 	snop  }
0x5: {  	_ = 	snop  }
0x6: {  	_ = 	snop  }
0x7: {  	_ = 	snop  }
__scs_overlays_trampoline_lowered:
0x8: {  	[smem:$0x3FA5] =	sst s0  }
0x9: {  	[smem:$0x3FA6] =	sst s1  }
0xa: {  	[smem:$0x3FA7] =	sst s2  }
0xb: {  	[smem:$0x3FA8] =	sst s3  }
0xc: {  	[smem:$0x3FA9] =	sst s4  }
0xd: {  	[smem:$0x3FAA] =	sst s5  }
0xe: {  	[smem:$0x3FAB] =	sst s6  }
0xf: {  	[smem:$0x3FAC] =	sst s7  }
0x10: {  	[smem:$0x3FAD] =	sst s8  }
0x11: {  	[smem:$0x3FAE] =	sst s9;
	s0 =	simm.s32 @!p0 $0x0  }
0x12: {  	s1 =	sld [smem:$0x3F94];
	s0 =	simm.s32 @p0 $0x1  }
0x13: {  	[smem:$0x3FAF] =	sst s0;
	s0 =	simm.s32 @!p1 $0x0  }
0x14: {  	s2 =	sld [smem:$0x3F93];
	s0 =	simm.s32 @p1 $0x1  }
0x15: {  	[smem:$0x3FB0] =	sst s0;
	s0 =	simm.s32 @!p2 $0x0  }
0x16: {  	s3 =	sld [smem:$0x3FDB];
	s0 =	simm.s32 @p2 $0x1  }
0x17: {  	s4 =	simm.s32 $0x1BF5;
	[smem:$0x3FB2] =	sst s0  }
0x18: {  	s0 =	sld [smem:$0x3F95];
	_ =	swait.ge [sflag:s4], $0x0  }
0x19: {  	s7 =	sld [smem:$0x3F96]  }
0x1a: {  	s8 =	sadd.s32 $0xFFFFE003, lr  }
0x1b: {  	s9 =	sadd.s32 $0xFFFFFEF7, lr;
	s5 =	simm.s32 $0xFFFFFFFF;
	p2 =	slt.u32 s8, $0xFFFFF086  }
0x1c: {  	p1 =	slt.u32 s9, $0xF7A;
	s5 =	simm.s32 @!p2 $0x0  }
0x1d: {  	s5 =	simm.s32 @p1 $0x1;
	p0 =	seq.s32 s7, s2  }
0x1e: {  	s7 =	smul.u32 @!p0 $0xF7A, s2;
	p2 =	seq.s32 @!p0 s5, $0x0  }
0x1f: {  	s9 =	smul.u32 $0xF7A, s1;
	s8 =	simm.s32 @!p0 $0x1BF5;
	p2 =	por !p2, p0  }
0x20: {  	[sflag:s8] =	ssyncset.s32 @!p0 $0xFFFFF086;
	s6 =	sadd.s32 @!p0 s3, s7;
	s7 =	simm.s32 @!p0 $0x108  }
0x21: {  	s3 =	sadd.s32 s3, s9;
	s6 =	sadd.s32 @!p0 $0x88, s6;
	s7 =	simm.s32 @p2 $0x1082  }
0x22: {  	[simem:s7], [sflag:s8] =	dma.local @!p0 [hbm:s6], $0xF7A  }
0x23: {  	s9 =	sor.u32 $0xD0000000, s2;
	s6 =	simm.s32 $0x108;
	_ =	swait.ge @!p0 [sflag:s8], $0x0  }
0x24: {  	s3 =	sadd.s32 $0x88, s3;
	s6 =	simm.s32 @!p1 $0x1082;
	[sflag:s4] =	ssyncset.s32 $0xFFFFF086  }
0x25: {  	[simem:s6], [sflag:s4] =	dma.local [hbm:s3], $0xF7A  }
0x26: {  	[smem:$0x3F96] =	sst s1;
	(tag) =	ssettag s2;
	_ =	strace s9  }
0x27: {  	s1 =	sld [smem:$0x3FA6]  }
0x28: {  	s2 =	sld [smem:$0x3FA7]  }
0x29: {  	s4 =	sld [smem:$0x3FA9]  }
0x2a: {  	p0 =	seq.s32 s5, $0x0;
	s5 =	sld [smem:$0x3FAA]  }
0x2b: {  	s6 =	sld [smem:$0x3FAB]  }
0x2c: {  	s7 =	sld [smem:$0x3FAC]  }
0x2d: {  	s3 =	simm.s32 $0x108;
	s8 =	sld [smem:$0x3FAD]  }
0x2e: {  	s3 =	simm.s32 @!p0 $0x1082;
	s9 =	sld [smem:$0x3FAE]  }
0x2f: {  	lr =	sadd.s32 s0, s3;
	s0 =	sld [smem:$0x3FA5]  }
0x30: {  	s3 =	sld [smem:$0x3FA8]  }
0x31: {  	[smem:$0x3FB1] =	sst s10  }
0x32: {  	s10 =	sld [smem:$0x3FAF];
	_ =	sdelay $0x3  }
0x33: {  	p0 =	seq.s32 s10, $0x1;
	s10 =	sld [smem:$0x3FB1];
	_ =	sdelay $0x3  }
0x34: {  	[smem:$0x3FB1] =	sst s10  }
0x35: {  	s10 =	sld [smem:$0x3FB0];
	_ =	sdelay $0x3  }
0x36: {  	p1 =	seq.s32 s10, $0x1;
	s10 =	sld [smem:$0x3FB1];
	_ =	sdelay $0x3  }
0x37: {  	[smem:$0x3FB1] =	sst s10  }
0x38: {  	s10 =	sld [smem:$0x3FB2]  }
0x39: {  	_ = 	snop;
	(pc) =	sbr.ind lr, $3  }
0x3a: {  	_ = 	snop  }
0x3b: {  	_ = 	snop  }
0x3c: {  	p2 =	seq.s32 s10, $0x1;
	s10 =	sld [smem:$0x3FB1]  }
0x3d: {  	_ =	shalt  }
0x3e: {  	_ =	shalt  }
0x3f: {  	_ =	shalt  }
0x40: {  	_ =	shalt  }
0x41: {  	_ =	shalt  }
0x42: {  	_ =	shalt  }
0x43: {  	_ =	shalt  }
0x44: {  	_ =	shalt  }
0x45: {  	_ =	shalt  }
0x46: {  	_ =	shalt  }
0x47: {  	_ =	shalt  }
0x48: {  	_ =	shalt  }
0x49: {  	_ =	shalt  }
0x4a: {  	_ =	shalt  }
0x4b: {  	_ =	shalt  }
0x4c: {  	_ =	shalt  }
0x4d: {  	_ =	shalt  }
0x4e: {  	_ =	shalt  }
0x4f: {  	_ =	shalt  }
0x50: {  	_ =	shalt  }
0x51: {  	_ =	shalt  }
0x52: {  	_ =	shalt  }
0x53: {  	_ =	shalt  }
0x54: {  	_ =	shalt  }
0x55: {  	_ =	shalt  }
0x56: {  	_ =	shalt  }
0x57: {  	_ =	shalt  }
0x58: {  	_ =	shalt  }
0x59: {  	_ =	shalt  }
0x5a: {  	_ =	shalt  }
0x5b: {  	_ =	shalt  }
0x5c: {  	_ =	shalt  }
0x5d: {  	_ =	shalt  }
0x5e: {  	_ =	shalt  }
0x5f: {  	_ =	shalt  }
0x60: {  	_ =	shalt  }
0x61: {  	_ =	shalt  }
0x62: {  	_ =	shalt  }
0x63: {  	_ =	shalt  }
0x64: {  	_ =	shalt  }
0x65: {  	_ =	shalt  }
0x66: {  	_ =	shalt  }
0x67: {  	_ =	shalt  }
0x68: {  	_ =	shalt  }
0x69: {  	_ =	shalt  }
0x6a: {  	_ =	shalt  }
0x6b: {  	_ =	shalt  }
0x6c: {  	_ =	shalt  }
0x6d: {  	_ =	shalt  }
0x6e: {  	_ =	shalt  }
0x6f: {  	_ =	shalt  }
0x70: {  	_ =	shalt  }
0x71: {  	_ =	shalt  }
0x72: {  	_ =	shalt  }
0x73: {  	_ =	shalt  }
0x74: {  	_ =	shalt  }
0x75: {  	_ =	shalt  }
0x76: {  	_ =	shalt  }
0x77: {  	_ =	shalt  }
0x78: {  	_ =	shalt  }
0x79: {  	_ =	shalt  }
0x7a: {  	_ =	shalt  }
0x7b: {  	_ =	shalt  }
0x7c: {  	_ =	shalt  }
0x7d: {  	_ =	shalt  }
0x7e: {  	_ =	shalt  }
0x7f: {  	_ =	shalt  }
0x80: {  	_ =	shalt  }
0x81: {  	_ =	shalt  }
0x82: {  	_ =	shalt  }
0x83: {  	_ =	shalt  }
0x84: {  	_ =	shalt  }
0x85: {  	_ =	shalt  }
0x86: {  	_ =	shalt  }
0x87: {  	_ =	shalt  }
.Lfunc_end0:
.L_simem_size_0:
called_computation_lowered:
.L_overlay_start_0:
0x88: {  	s2 =	sld [smem:$0x3FD9]  }
0x89: {  	s3 =	sld [smem:$0x3FFE];
	_ =	sdelay $0x1  }
0x8a: {  	s1 =	srdreg.scid  }
0x8b: {  	s0 =	sand.u32 $0x1, s1  }
0x8c: {  	s16 =	sshll.u32 s0, $0xA;
	s2 =	sadd.s32 s3, s2  }
0x8d: {  	s2 =	sadd.s32 s2, s16  }
0x8e: {  	[smem:$0x3FBD] =	sst s2  }
0x8f: {  	_ = 	snop  }
0x90: {  	(tm) =	ssettm $0x1  }
0x91: {  	s17 =	sld [smem:$0x3FFB];
	_ =	sdelay $0x3  }
0x92: {  	_ =	strace s17  }
0x93: {  	s2 =	sld [smem:$0x3FFC];
	_ =	sdelay $0x3  }
0x94: {  	_ =	strace s2  }
0x95: {  	s2 =	sld [smem:$0x3FFD];
	_ =	sdelay $0x3  }
0x96: {  	_ =	strace s2  }
0x97: {  	_ =	strace $0x8FFFFFFF  }
0x98: {  	s18 =	sld [smem:$0x3FDB];
	_ =	sdelay $0x1  }
0x99: {  	s19 =	simm.s32 $_scs_section_size  }
0x9a: {  	s4 =	simm.s32 $_size__tile_overlayer_lowered;
	s5 =	simm.s32 $_tile_overlayer_lowered  }
0x9b: {  	s22 =	simm.s32 $0x1BFF;
	s21 =	sshll.u32 s5, $0x1;
	s2 =	sadd.s32 s19, s18  }
0x9c: {  	s6 =	simm.s32 $0x0;
	s20 =	sshll.u32 s4, $0x1;
	s4 =	sadd.s32 s21, s2  }
0x9d: {  	[timem:s6], [sflag:s22] =	dma.local [hbm:s4], s20  }
0x9e: {  	_ =	swait.ge [sflag:s22], s20  }
0x9f: {  	s3 =	ssub.s32 $0x0, s20;
	[sflag:s22] =	ssyncset.done $0x0  }
0xa0: {  	[sflag:s22] =	ssyncadd.s32 s3;
	_ =	sdelay $0x1  }
0xa1: {  	s23 =	simm.s32 $0x1B8B  }
0xa2: {  	_ =	swait.ge [sflag:s23], $0x1  }
0xa3: {  	[sflag:s23] =	ssyncset.done $0x0  }
0xa4: {  	s25 =	simm.s32 $0x1B8E;
	s24 =	sld [smem:$0x3FFE];
	[sflag:s23] =	ssyncadd.s32 $0xFFFFFFFF  }
0xa5: {  	s26 =	simm.s32 $execute0_lowered;
	[smem:$0x3FD2] =	sst s25  }
0xa6: {  	s4 =	sshll.u32 s26, $0x1;
	_ =	strace $0x80000046;
	[dreg:$0x1] =	wrdreg $0xFFFFFFFF  }
0xa7: {  	s28 =	simm.s32 $_size_execute0_lowered;
	s2 =	sadd.s32 s2, s4;
	[dreg:$0x0] =	wrdreg $0x0  }
0xa8: {  	s4 =	sshll.u32 s28, $0x1;
	[dreg:$0x2] =	wrdreg s2  }
0xa9: {  	[dreg:$0x3] =	wrdreg s4  }
0xaa: {  	[dreg:$0x4] =	wrdreg $0xC0  }
0xab: {  	_ =	task [dreg:s6], $0x5FFFF  }
0xac: {  	[dreg:$0x1] =	wrdreg $0xFFFFFFFF  }
0xad: {  	[dreg:$0x0] =	wrdreg $0x60  }
0xae: {  	[dreg:$0x2] =	wrdreg s24  }
0xaf: {  	[dreg:$0x3] =	wrdreg $0xA8000  }
0xb0: {  	[dreg:$0x4] =	wrdreg $0x9  }
0xb1: {  	_ =	task.clear_ibuf [dreg:s6], $0x5FFFF;
	_ =	strace $0x90000046  }
0xb2: {  	s29 =	simm.s32 $0x9;
	_ =	strace $0x80000048  }
0xb3: {  	_ =	swait.ge [sflag:s29], $0x1  }
0xb4: {  	[sflag:s29] =	ssyncadd.s32 $0xFFFFFFFF  }
0xb5: {  	_ =	strace $0x90000048  }
0xb6: {  	_ =	sfence  }
0xb7: {  	s30 =	sld [smem:$0x0];
	_ =	sdelay $0x2  }
0xb8: {  	s31 =	sshll.u32 s1, $0xD;
	s1 =	sshrl.u32 s1, $0x2  }
0xb9: {  	s3 =	sand.u32 $0x4000, s31;
	s1 =	sadd.s32 s1, s30  }
0xba: {  	s0 =	sor.u32 s3, s0;
	s1 =	sshll.u32 s1, $0x11  }
0xbb: {  	s0 =	sor.u32 s1, s0  }
0xbc: {  	s0 =	sadd.s32 $0x8F2B, s0  }
0xbd: {  	[sflag:s0] =	ssyncadd.remote.s32 $0x1  }
0xbe: {  	_ =	sfence.sel $0xFFFF  }
0xbf: {  	[dreg:$0x0] =	wrdreg $0xFFFFFFFF;
	(pc) =	sbr.abs _section_cstart, $3  }
0xc0: {  	[dreg:$0x1] =	wrdreg $0xFFFFFFFF  }
0xc1: {  	_ =	task.clear_ibuf [dreg:s6], $0x2FFFF;
	_ =	strace $0x9FFFFFFF  }
0xc2: {  	(tm) =	ssettm $0x7FFFFFFF  }
0xc3: {  	_ =	shalt  }
tec
execute0_lowered:
.L_overlay_start_1:
0x0: {  	(tag) =	ssettag $0x1  }
0x1: {  	s5 =	rddreg [dreg:$0x0]  }
0x2: {  	s1 =	rddreg [dreg:$0x1]  }
0x3: {  	s2 =	srdreg.scid;
	s0 =	rddreg [dreg:$0x2]  }
0x4: {  	s3 =	simm.s32 $0x0;
	s15 =	simm.s32 $0x1;
	s7 =	sand.u32 $0x1, s2  }
0x5: {  	s16 =	simm.s32 $0x2;
	s2 =	stileid.u32;
	s6 =	smul.u32 $0x6800, s7  }
0x6: {  	[smem:$0x7FF] =	sst s3;
	s4 =	sadd.s32 $0x91A00, s5;
	s17 =	smul.u32 $0x2800, s2  }
0x7: {  	_ =	strace $0x80000047;
	s8 =	smul.u32 $0x28000, s7;
	s26 =	ssub.s32 $0x2, s7  }
0x8: {  	s10 =	smul.u32 $0x50000, s2;
	s30 =	sshll.u32 s2, $0x6;
	p0 =	seq.s32 s7, $0x0  }
0x9: {  	s7 =	simm.s32 $0x3A;
	s13 =	smul.u32 $0x680, s2;
	s28 =	sshrl.u32 s26, $0x1  }
0xa: {  	s7 =	simm.s32 @!p0 $0x63;
	s9 =	sadd.s32 s6, s5;
	s11 =	sadd.s32 s17, s5  }
0xb: {  	s8 =	sadd.s32 s8, s5;
	s12 =	ssub.s32 s26, s28;
	s29 =	sshrl.u32 s10, $0x2  }
0xc: {  	s6 =	sor.u32 $0x1C03, s30;
	s10 =	sadd.s32 s29, s1;
	s5 =	sadd.s32 $0xB8C00, s11  }
0xd: {  	s31 =	sadd.s32 $0x2600, s9;
	s14 =	sadd.s32 $0xF600, s9;
	s18 =	sadd.s32 $0xE0C00, s8  }
0xe: {  	s8 =	smax.u32 s12, $0x1;
	s9 =	sshrl.u32 s10, $0x3;
	s10 =	simm.s32 $0x3  }
0xf: {  	s11 =	sadd.s32 s13, s31;
	s12 =	sadd.s32 s13, s14;
	s13 =	simm.s32 $0x80  }
0x10: {  	s14 =	simm.s32 $0x6800;
	s17 =	sadd.s32 s17, s18;
	s18 =	simm.s32 $0x0  }
.LBB2_1:
0x11: {  	[spmem:s9], [sflag:s6] =	dma.local [hbm:s5], $0x2800  }
0x12: {  	_ =	swait.ge [sflag:s10], $0x2800  }
0x13: {  	[sflag:s10] =	ssyncset.done $0x0  }
0x14: {  	[sflag:s10] =	ssyncadd.s32 $0xFFFFD800  }
0x15: {  	[tilespmem:s3], [sflag:$0x3] =	stream.linear.gather [hbm4b:s11+s3], $0x3180, $0x38;
	[tilespmem:$0x1E800] =	vst v63  }
0x16: {  	_ =	swait.ge [sflag:s10], $0x3180  }
0x17: {  	[sflag:s10] =	ssyncset.done $0x0  }
0x18: {  	s19 =	simm.s32 $0x3400;
	[sflag:s10] =	ssyncadd.s32 $0xFFFFCE80  }
0x19: {  	[tilespmem:s19], [sflag:$0x3] =	stream.linear.gather [hbm4b:s12+s3], $0x3180, $0x38;
	[tilespmem:$0x1E800] =	vst v63  }
0x1a: {  	_ =	swait.ge [sflag:s10], $0x3180  }
0x1b: {  	[sflag:s10] =	ssyncset.done $0x0  }
0x1c: {  	[sflag:s10] =	ssyncadd.s32 $0xFFFFCE80  }
0x1d: {  	[bflag:$0x0] =	sbarrier.arrive $0xFFFF  }
0x1e: {  	[tilespmem:s14], [sflag:$0x1] =	stream.indirect.gather [hbm4b:s4+s13], $0x80, s3, s13, $0xb8;
	[tilespmem:$0x1E800] =	vst v63  }
0x1f: {  	p0 =	sne.s32 s7, $0x1;
	_ =	swait.ge [sflag:s15], $0x4000  }
.Ltmp0:
0x20: {  	[sflag:s15] =	ssyncset.done $0x0;
	(pc) =	sbr.rel @!p0 .LBB2_3-.Ltmp0, $4  }
0x21: {  	[sflag:s15] =	ssyncadd.s32 $0xFFFFC000  }
0x22: {  	[spmem:s1] =	stream.indirect.scatter.add.f32 [tilespmem:s14], [sflag:$0x2], $0x80, s19, s13, $0xb8;
	[tilespmem:$0x1E800] =	vst v63  }
0x23: {  	_ =	swait.ge [sflag:s16], $0x4000  }
0x24: {  	s20 =	sadd.s32 $0xFFFFFFFF, s7;
	s21 =	simm.s32 $0x0;
	[sflag:s16] =	ssyncset.done $0x0  }
.LBB2_2:
0x25: {  	[sflag:s16] =	ssyncadd.s32 $0xFFFFC000;
	s21 =	sadd.s32 $0x80, s21;
	s19 =	sadd.s32 $0x80, s19  }
0x26: {  	[tilespmem:s14], [sflag:$0x1] =	stream.indirect.gather [hbm4b:s4+s13], $0x80, s21, s13, $0xb8;
	[tilespmem:$0x1E800] =	vst v63  }
0x27: {  	p0 =	sne.s32 s20, $0x1;
	s20 =	sadd.s32 $0xFFFFFFFF, s20;
	_ =	swait.ge [sflag:s15], $0x4000  }
.Ltmp1:
0x28: {  	[sflag:s15] =	ssyncset.done $0x0;
	(pc) =	sbr.rel @p0 .LBB2_2-.Ltmp1, $4  }
0x29: {  	[sflag:s15] =	ssyncadd.s32 $0xFFFFC000  }
0x2a: {  	[spmem:s1] =	stream.indirect.scatter.add.f32 [tilespmem:s14], [sflag:$0x2], $0x80, s19, s13, $0xb8;
	[tilespmem:$0x1E800] =	vst v63  }
0x2b: {  	_ =	swait.ge [sflag:s16], $0x4000  }
0x2c: {  	[sflag:s16] =	ssyncset.done $0x0  }
.LBB2_3:
0x2d: {  	s18 =	sadd.s32 $0x1, s18  }
0x2e: {  	[sflag:s16] =	ssyncadd.s32 $0xFFFFC000;
	p0 =	sne.s32 s18, s8  }
.Ltmp2:
0x2f: {  	[bflag:$0x0] =	sbarrier.arrive $0xFFFF;
	(pc) =	sbr.rel @p0 .LBB2_1-.Ltmp2, $4  }
0x30: {  	[hbm:s17], [sflag:s6] =	dma.local [spmem:s9], $0x2800  }
0x31: {  	_ =	swait.ge [sflag:s10], $0x2800  }
0x32: {  	[sflag:s10] =	ssyncset.done $0x0  }
0x33: {  	[sflag:s10] =	ssyncadd.s32 $0xFFFFD800  }
0x34: {  	_ =	sfence.sel $0x180000  }
0x35: {  	[bflag:$0x0] =	sbarrier.arrive $0xFFFF  }
0x36: {  	p0 =	sne.s32 s2, $0x0;
	_ =	strace $0x90000047  }
0x37: {  	s0 =	sadd.s32 @!p0 $0x100000, s0;
	[bflag:$0x2] =	sbarrier.arrive $0xFFFF  }
0x38: {  	[sflag:s0] =	ssyncadd.tile.s32 @!p0 $0x1;
	_ =	shalt  }
.Lfunc_end2:
_tile_overlayer_lowered:
.L_overlay_start_2:
0x39: {  	(tag) =	ssettag $0x2  }
0x3a: {  	s0 =	rddreg [dreg:$0x0];
	s2 =	stileid.u32  }
0x3b: {  	s1 =	rddreg [dreg:$0x1];
	p0 =	sne.s32 s2, $0x0  }
0x3c: {  	s3 =	rddreg [dreg:$0x2];
	[bflag:$0x3] =	sbarrier.arrive $0xFFFF;
	s2 =	simm.s32 @!p0 $0x1C03  }
0x3d: {  	[timem:s3], [sflag:s2] =	dma.local @!p0 [hbm:s0], s1  }
0x3e: {  	s0 =	simm.s32 @!p0 $0x3  }
0x3f: {  	_ =	swait.ge @!p0 [sflag:s0], s1  }
0x40: {  	s1 =	ssub.s32 @!p0 $0x0, s1;
	[sflag:s0] =	ssyncset.done @!p0 $0x0  }
0x41: {  	[sflag:s0] =	ssyncadd.s32 @!p0 s1  }
0x42: {  	[bflag:$0x3] =	sbarrier.arrive $0xFFFF  }
0x43: {  	_ =	shalt  }

// kernel: kernel.14.cloned.1.call-start
scs
__scs_entry_jumppad:
0x0: {  	(pc) =	sbr.rel $0x88, $3  }
0x1: {  	(tag) =	ssettag $0x0;
	lr =	simm.s32 $0x1  }
0x2: {  	[smem:$0x3F96] =	sst lr;
	_ =	strace $0xD0000000  }
0x3: {  	_ = 	snop  }
0x4: {  	_ = 	snop  }
0x5: {  	_ = 	snop  }
0x6: {  	_ = 	snop  }
0x7: {  	_ = 	snop  }
__scs_overlays_trampoline_lowered:
0x8: {  	[smem:$0x3FA5] =	sst s0  }
0x9: {  	[smem:$0x3FA6] =	sst s1  }
0xa: {  	[smem:$0x3FA7] =	sst s2  }
0xb: {  	[smem:$0x3FA8] =	sst s3  }
0xc: {  	[smem:$0x3FA9] =	sst s4  }
0xd: {  	[smem:$0x3FAA] =	sst s5  }
0xe: {  	[smem:$0x3FAB] =	sst s6  }
0xf: {  	[smem:$0x3FAC] =	sst s7  }
0x10: {  	[smem:$0x3FAD] =	sst s8  }
0x11: {  	[smem:$0x3FAE] =	sst s9;
	s0 =	simm.s32 @!p0 $0x0  }
0x12: {  	s1 =	sld [smem:$0x3F94];
	s0 =	simm.s32 @p0 $0x1  }
0x13: {  	[smem:$0x3FAF] =	sst s0;
	s0 =	simm.s32 @!p1 $0x0  }
0x14: {  	s2 =	sld [smem:$0x3F93];
	s0 =	simm.s32 @p1 $0x1  }
0x15: {  	[smem:$0x3FB0] =	sst s0;
	s0 =	simm.s32 @!p2 $0x0  }
0x16: {  	s3 =	sld [smem:$0x3FDB];
	s0 =	simm.s32 @p2 $0x1  }
0x17: {  	s4 =	simm.s32 $0x1BF5;
	[smem:$0x3FB2] =	sst s0  }
0x18: {  	s0 =	sld [smem:$0x3F95];
	_ =	swait.ge [sflag:s4], $0x0  }
0x19: {  	s7 =	sld [smem:$0x3F96]  }
0x1a: {  	s8 =	sadd.s32 $0xFFFFE003, lr  }
0x1b: {  	s9 =	sadd.s32 $0xFFFFFEF7, lr;
	s5 =	simm.s32 $0xFFFFFFFF;
	p2 =	slt.u32 s8, $0xFFFFF086  }
0x1c: {  	p1 =	slt.u32 s9, $0xF7A;
	s5 =	simm.s32 @!p2 $0x0  }
0x1d: {  	s5 =	simm.s32 @p1 $0x1;
	p0 =	seq.s32 s7, s2  }
0x1e: {  	s7 =	smul.u32 @!p0 $0xF7A, s2;
	p2 =	seq.s32 @!p0 s5, $0x0  }
0x1f: {  	s9 =	smul.u32 $0xF7A, s1;
	s8 =	simm.s32 @!p0 $0x1BF5;
	p2 =	por !p2, p0  }
0x20: {  	[sflag:s8] =	ssyncset.s32 @!p0 $0xFFFFF086;
	s6 =	sadd.s32 @!p0 s3, s7;
	s7 =	simm.s32 @!p0 $0x108  }
0x21: {  	s3 =	sadd.s32 s3, s9;
	s6 =	sadd.s32 @!p0 $0x88, s6;
	s7 =	simm.s32 @p2 $0x1082  }
0x22: {  	[simem:s7], [sflag:s8] =	dma.local @!p0 [hbm:s6], $0xF7A  }
0x23: {  	s9 =	sor.u32 $0xD0000000, s2;
	s6 =	simm.s32 $0x108;
	_ =	swait.ge @!p0 [sflag:s8], $0x0  }
0x24: {  	s3 =	sadd.s32 $0x88, s3;
	s6 =	simm.s32 @!p1 $0x1082;
	[sflag:s4] =	ssyncset.s32 $0xFFFFF086  }
0x25: {  	[simem:s6], [sflag:s4] =	dma.local [hbm:s3], $0xF7A  }
0x26: {  	[smem:$0x3F96] =	sst s1;
	(tag) =	ssettag s2;
	_ =	strace s9  }
0x27: {  	s1 =	sld [smem:$0x3FA6]  }
0x28: {  	s2 =	sld [smem:$0x3FA7]  }
0x29: {  	s4 =	sld [smem:$0x3FA9]  }
0x2a: {  	p0 =	seq.s32 s5, $0x0;
	s5 =	sld [smem:$0x3FAA]  }
0x2b: {  	s6 =	sld [smem:$0x3FAB]  }
0x2c: {  	s7 =	sld [smem:$0x3FAC]  }
0x2d: {  	s3 =	simm.s32 $0x108;
	s8 =	sld [smem:$0x3FAD]  }
0x2e: {  	s3 =	simm.s32 @!p0 $0x1082;
	s9 =	sld [smem:$0x3FAE]  }
0x2f: {  	lr =	sadd.s32 s0, s3;
	s0 =	sld [smem:$0x3FA5]  }
0x30: {  	s3 =	sld [smem:$0x3FA8]  }
0x31: {  	[smem:$0x3FB1] =	sst s10  }
0x32: {  	s10 =	sld [smem:$0x3FAF];
	_ =	sdelay $0x3  }
0x33: {  	p0 =	seq.s32 s10, $0x1;
	s10 =	sld [smem:$0x3FB1];
	_ =	sdelay $0x3  }
0x34: {  	[smem:$0x3FB1] =	sst s10  }
0x35: {  	s10 =	sld [smem:$0x3FB0];
	_ =	sdelay $0x3  }
0x36: {  	p1 =	seq.s32 s10, $0x1;
	s10 =	sld [smem:$0x3FB1];
	_ =	sdelay $0x3  }
0x37: {  	[smem:$0x3FB1] =	sst s10  }
0x38: {  	s10 =	sld [smem:$0x3FB2]  }
0x39: {  	_ = 	snop;
	(pc) =	sbr.ind lr, $3  }
0x3a: {  	_ = 	snop  }
0x3b: {  	_ = 	snop  }
0x3c: {  	p2 =	seq.s32 s10, $0x1;
	s10 =	sld [smem:$0x3FB1]  }
0x3d: {  	_ =	shalt  }
0x3e: {  	_ =	shalt  }
0x3f: {  	_ =	shalt  }
0x40: {  	_ =	shalt  }
0x41: {  	_ =	shalt  }
0x42: {  	_ =	shalt  }
0x43: {  	_ =	shalt  }
0x44: {  	_ =	shalt  }
0x45: {  	_ =	shalt  }
0x46: {  	_ =	shalt  }
0x47: {  	_ =	shalt  }
0x48: {  	_ =	shalt  }
0x49: {  	_ =	shalt  }
0x4a: {  	_ =	shalt  }
0x4b: {  	_ =	shalt  }
0x4c: {  	_ =	shalt  }
0x4d: {  	_ =	shalt  }
0x4e: {  	_ =	shalt  }
0x4f: {  	_ =	shalt  }
0x50: {  	_ =	shalt  }
0x51: {  	_ =	shalt  }
0x52: {  	_ =	shalt  }
0x53: {  	_ =	shalt  }
0x54: {  	_ =	shalt  }
0x55: {  	_ =	shalt  }
0x56: {  	_ =	shalt  }
0x57: {  	_ =	shalt  }
0x58: {  	_ =	shalt  }
0x59: {  	_ =	shalt  }
0x5a: {  	_ =	shalt  }
0x5b: {  	_ =	shalt  }
0x5c: {  	_ =	shalt  }
0x5d: {  	_ =	shalt  }
0x5e: {  	_ =	shalt  }
0x5f: {  	_ =	shalt  }
0x60: {  	_ =	shalt  }
0x61: {  	_ =	shalt  }
0x62: {  	_ =	shalt  }
0x63: {  	_ =	shalt  }
0x64: {  	_ =	shalt  }
0x65: {  	_ =	shalt  }
0x66: {  	_ =	shalt  }
0x67: {  	_ =	shalt  }
0x68: {  	_ =	shalt  }
0x69: {  	_ =	shalt  }
0x6a: {  	_ =	shalt  }
0x6b: {  	_ =	shalt  }
0x6c: {  	_ =	shalt  }
0x6d: {  	_ =	shalt  }
0x6e: {  	_ =	shalt  }
0x6f: {  	_ =	shalt  }
0x70: {  	_ =	shalt  }
0x71: {  	_ =	shalt  }
0x72: {  	_ =	shalt  }
0x73: {  	_ =	shalt  }
0x74: {  	_ =	shalt  }
0x75: {  	_ =	shalt  }
0x76: {  	_ =	shalt  }
0x77: {  	_ =	shalt  }
0x78: {  	_ =	shalt  }
0x79: {  	_ =	shalt  }
0x7a: {  	_ =	shalt  }
0x7b: {  	_ =	shalt  }
0x7c: {  	_ =	shalt  }
0x7d: {  	_ =	shalt  }
0x7e: {  	_ =	shalt  }
0x7f: {  	_ =	shalt  }
0x80: {  	_ =	shalt  }
0x81: {  	_ =	shalt  }
0x82: {  	_ =	shalt  }
0x83: {  	_ =	shalt  }
0x84: {  	_ =	shalt  }
0x85: {  	_ =	shalt  }
0x86: {  	_ =	shalt  }
0x87: {  	_ =	shalt  }
.Lfunc_end0:
.L_simem_size_0:
called_computation.1_lowered:
.L_overlay_start_0:
0x88: {  	s2 =	sld [smem:$0x3FD9]  }
0x89: {  	s3 =	sld [smem:$0x3FFE];
	_ =	sdelay $0x1  }
0x8a: {  	s1 =	srdreg.scid  }
0x8b: {  	s0 =	sand.u32 $0x1, s1  }
0x8c: {  	s16 =	sshll.u32 s0, $0xA;
	s2 =	sadd.s32 s3, s2  }
0x8d: {  	s2 =	sadd.s32 s2, s16  }
0x8e: {  	[smem:$0x3FBD] =	sst s2  }
0x8f: {  	_ = 	snop  }
0x90: {  	(tm) =	ssettm $0x1  }
0x91: {  	s17 =	sld [smem:$0x3FFB];
	_ =	sdelay $0x3  }
0x92: {  	_ =	strace s17  }
0x93: {  	s2 =	sld [smem:$0x3FFC];
	_ =	sdelay $0x3  }
0x94: {  	_ =	strace s2  }
0x95: {  	s2 =	sld [smem:$0x3FFD];
	_ =	sdelay $0x3  }
0x96: {  	_ =	strace s2  }
0x97: {  	_ =	strace $0x8FFFFFFF  }
0x98: {  	s18 =	sld [smem:$0x3FDB];
	_ =	sdelay $0x1  }
0x99: {  	s19 =	simm.s32 $_scs_section_size  }
0x9a: {  	s4 =	simm.s32 $_size__tile_overlayer_lowered;
	s5 =	simm.s32 $_tile_overlayer_lowered  }
0x9b: {  	s22 =	simm.s32 $0x1BFF;
	s21 =	sshll.u32 s5, $0x1;
	s2 =	sadd.s32 s19, s18  }
0x9c: {  	s6 =	simm.s32 $0x0;
	s20 =	sshll.u32 s4, $0x1;
	s4 =	sadd.s32 s21, s2  }
0x9d: {  	[timem:s6], [sflag:s22] =	dma.local [hbm:s4], s20  }
0x9e: {  	_ =	swait.ge [sflag:s22], s20  }
0x9f: {  	s3 =	ssub.s32 $0x0, s20;
	[sflag:s22] =	ssyncset.done $0x0  }
0xa0: {  	[sflag:s22] =	ssyncadd.s32 s3;
	_ =	sdelay $0x1  }
0xa1: {  	s23 =	simm.s32 $0x1B8B  }
0xa2: {  	_ =	swait.ge [sflag:s23], $0x1  }
0xa3: {  	[sflag:s23] =	ssyncset.done $0x0  }
0xa4: {  	s25 =	simm.s32 $0x1B8E;
	s24 =	sld [smem:$0x3FFE];
	[sflag:s23] =	ssyncadd.s32 $0xFFFFFFFF  }
0xa5: {  	s26 =	simm.s32 $execute0_lowered;
	[smem:$0x3FD2] =	sst s25  }
0xa6: {  	s4 =	sshll.u32 s26, $0x1;
	_ =	strace $0x80000049;
	[dreg:$0x1] =	wrdreg $0xFFFFFFFF  }
0xa7: {  	s28 =	simm.s32 $_size_execute0_lowered;
	s2 =	sadd.s32 s2, s4;
	[dreg:$0x0] =	wrdreg $0x0  }
0xa8: {  	s4 =	sshll.u32 s28, $0x1;
	[dreg:$0x2] =	wrdreg s2  }
0xa9: {  	[dreg:$0x3] =	wrdreg s4  }
0xaa: {  	[dreg:$0x4] =	wrdreg $0xC0  }
0xab: {  	_ =	task [dreg:s6], $0x5FFFF  }
0xac: {  	[dreg:$0x1] =	wrdreg $0xFFFFFFFF  }
0xad: {  	[dreg:$0x0] =	wrdreg $0x60  }
0xae: {  	[dreg:$0x2] =	wrdreg s24  }
0xaf: {  	[dreg:$0x3] =	wrdreg $0xA8000  }
0xb0: {  	[dreg:$0x4] =	wrdreg $0x9  }
0xb1: {  	_ =	task.clear_ibuf [dreg:s6], $0x5FFFF;
	_ =	strace $0x90000049  }
0xb2: {  	s29 =	simm.s32 $0x9;
	_ =	strace $0x8000004B  }
0xb3: {  	_ =	swait.ge [sflag:s29], $0x1  }
0xb4: {  	[sflag:s29] =	ssyncadd.s32 $0xFFFFFFFF  }
0xb5: {  	_ =	strace $0x9000004B  }
0xb6: {  	_ =	sfence  }
0xb7: {  	s30 =	sld [smem:$0x0];
	_ =	sdelay $0x2  }
0xb8: {  	s31 =	sshll.u32 s1, $0xD;
	s1 =	sshrl.u32 s1, $0x2  }
0xb9: {  	s3 =	sand.u32 $0x4000, s31;
	s1 =	sadd.s32 s1, s30  }
0xba: {  	s0 =	sor.u32 s3, s0;
	s1 =	sshll.u32 s1, $0x11  }
0xbb: {  	s0 =	sor.u32 s1, s0  }
0xbc: {  	s0 =	sadd.s32 $0x8F2B, s0  }
0xbd: {  	[sflag:s0] =	ssyncadd.remote.s32 $0x1  }
0xbe: {  	_ =	sfence.sel $0xFFFF  }
0xbf: {  	[dreg:$0x0] =	wrdreg $0xFFFFFFFF;
	(pc) =	sbr.abs _section_cstart, $3  }
0xc0: {  	[dreg:$0x1] =	wrdreg $0xFFFFFFFF  }
0xc1: {  	_ =	task.clear_ibuf [dreg:s6], $0x2FFFF;
	_ =	strace $0x9FFFFFFF  }
0xc2: {  	(tm) =	ssettm $0x7FFFFFFF  }
0xc3: {  	_ =	shalt  }
tec
execute0_lowered:
.L_overlay_start_1:
0x0: {  	(tag) =	ssettag $0x1  }
0x1: {  	s5 =	rddreg [dreg:$0x0]  }
0x2: {  	s1 =	rddreg [dreg:$0x1]  }
0x3: {  	s2 =	srdreg.scid;
	s0 =	rddreg [dreg:$0x2]  }
0x4: {  	s3 =	simm.s32 $0x0;
	s15 =	simm.s32 $0x1;
	s7 =	sand.u32 $0x1, s2  }
0x5: {  	s16 =	simm.s32 $0x2;
	s2 =	stileid.u32;
	s6 =	smul.u32 $0x6800, s7  }
0x6: {  	[smem:$0x7FF] =	sst s3;
	s4 =	sadd.s32 $0xE0C00, s5;
	s17 =	smul.u32 $0x2800, s2  }
0x7: {  	_ =	strace $0x8000004A;
	s8 =	smul.u32 $0x28000, s7;
	s26 =	ssub.s32 $0x2, s7  }
0x8: {  	s10 =	smul.u32 $0x50000, s2;
	s30 =	sshll.u32 s2, $0x6;
	p0 =	seq.s32 s7, $0x0  }
0x9: {  	s7 =	simm.s32 $0x3A;
	s13 =	smul.u32 $0x680, s2;
	s28 =	sshrl.u32 s26, $0x1  }
0xa: {  	s7 =	simm.s32 @!p0 $0x63;
	s9 =	sadd.s32 s6, s5;
	s11 =	sadd.s32 s17, s5  }
0xb: {  	s8 =	sadd.s32 s8, s5;
	s12 =	ssub.s32 s26, s28;
	s29 =	sshrl.u32 s10, $0x2  }
0xc: {  	s6 =	sor.u32 $0x1C03, s30;
	s10 =	sadd.s32 s29, s1;
	s5 =	sadd.s32 $0xB8C00, s11  }
0xd: {  	s31 =	sadd.s32 $0x2600, s9;
	s14 =	sadd.s32 $0xF600, s9;
	s18 =	sadd.s32 $0x1C600, s8  }
0xe: {  	s8 =	smax.u32 s12, $0x1;
	s9 =	sshrl.u32 s10, $0x3;
	s10 =	simm.s32 $0x3  }
0xf: {  	s11 =	sadd.s32 s13, s31;
	s12 =	sadd.s32 s13, s14;
	s13 =	simm.s32 $0x80  }
0x10: {  	s14 =	simm.s32 $0x6800;
	s17 =	sadd.s32 s17, s18;
	s18 =	simm.s32 $0x0  }
.LBB2_1:
0x11: {  	[spmem:s9], [sflag:s6] =	dma.local [hbm:s5], $0x2800  }
0x12: {  	_ =	swait.ge [sflag:s10], $0x2800  }
0x13: {  	[sflag:s10] =	ssyncset.done $0x0  }
0x14: {  	[sflag:s10] =	ssyncadd.s32 $0xFFFFD800  }
0x15: {  	[tilespmem:s3], [sflag:$0x3] =	stream.linear.gather [hbm4b:s11+s3], $0x3180, $0x38;
	[tilespmem:$0x1E800] =	vst v63  }
0x16: {  	_ =	swait.ge [sflag:s10], $0x3180  }
0x17: {  	[sflag:s10] =	ssyncset.done $0x0  }
0x18: {  	s19 =	simm.s32 $0x3400;
	[sflag:s10] =	ssyncadd.s32 $0xFFFFCE80  }
0x19: {  	[tilespmem:s19], [sflag:$0x3] =	stream.linear.gather [hbm4b:s12+s3], $0x3180, $0x38;
	[tilespmem:$0x1E800] =	vst v63  }
0x1a: {  	_ =	swait.ge [sflag:s10], $0x3180  }
0x1b: {  	[sflag:s10] =	ssyncset.done $0x0  }
0x1c: {  	[sflag:s10] =	ssyncadd.s32 $0xFFFFCE80  }
0x1d: {  	[bflag:$0x0] =	sbarrier.arrive $0xFFFF  }
0x1e: {  	[tilespmem:s14], [sflag:$0x1] =	stream.indirect.gather [hbm4b:s4+s13], $0x80, s3, s13, $0xb8;
	[tilespmem:$0x1E800] =	vst v63  }
0x1f: {  	p0 =	sne.s32 s7, $0x1;
	_ =	swait.ge [sflag:s15], $0x4000  }
.Ltmp0:
0x20: {  	[sflag:s15] =	ssyncset.done $0x0;
	(pc) =	sbr.rel @!p0 .LBB2_3-.Ltmp0, $4  }
0x21: {  	[sflag:s15] =	ssyncadd.s32 $0xFFFFC000  }
0x22: {  	[spmem:s1] =	stream.indirect.scatter.add.f32 [tilespmem:s14], [sflag:$0x2], $0x80, s19, s13, $0xb8;
	[tilespmem:$0x1E800] =	vst v63  }
0x23: {  	_ =	swait.ge [sflag:s16], $0x4000  }
0x24: {  	s20 =	sadd.s32 $0xFFFFFFFF, s7;
	s21 =	simm.s32 $0x0;
	[sflag:s16] =	ssyncset.done $0x0  }
.LBB2_2:
0x25: {  	[sflag:s16] =	ssyncadd.s32 $0xFFFFC000;
	s21 =	sadd.s32 $0x80, s21;
	s19 =	sadd.s32 $0x80, s19  }
0x26: {  	[tilespmem:s14], [sflag:$0x1] =	stream.indirect.gather [hbm4b:s4+s13], $0x80, s21, s13, $0xb8;
	[tilespmem:$0x1E800] =	vst v63  }
0x27: {  	p0 =	sne.s32 s20, $0x1;
	s20 =	sadd.s32 $0xFFFFFFFF, s20;
	_ =	swait.ge [sflag:s15], $0x4000  }
.Ltmp1:
0x28: {  	[sflag:s15] =	ssyncset.done $0x0;
	(pc) =	sbr.rel @p0 .LBB2_2-.Ltmp1, $4  }
0x29: {  	[sflag:s15] =	ssyncadd.s32 $0xFFFFC000  }
0x2a: {  	[spmem:s1] =	stream.indirect.scatter.add.f32 [tilespmem:s14], [sflag:$0x2], $0x80, s19, s13, $0xb8;
	[tilespmem:$0x1E800] =	vst v63  }
0x2b: {  	_ =	swait.ge [sflag:s16], $0x4000  }
0x2c: {  	[sflag:s16] =	ssyncset.done $0x0  }
.LBB2_3:
0x2d: {  	s18 =	sadd.s32 $0x1, s18  }
0x2e: {  	[sflag:s16] =	ssyncadd.s32 $0xFFFFC000;
	p0 =	sne.s32 s18, s8  }
.Ltmp2:
0x2f: {  	[bflag:$0x0] =	sbarrier.arrive $0xFFFF;
	(pc) =	sbr.rel @p0 .LBB2_1-.Ltmp2, $4  }
0x30: {  	[hbm:s17], [sflag:s6] =	dma.local [spmem:s9], $0x2800  }
0x31: {  	_ =	swait.ge [sflag:s10], $0x2800  }
0x32: {  	[sflag:s10] =	ssyncset.done $0x0  }
0x33: {  	[sflag:s10] =	ssyncadd.s32 $0xFFFFD800  }
0x34: {  	_ =	sfence.sel $0x180000  }
0x35: {  	[bflag:$0x0] =	sbarrier.arrive $0xFFFF  }
0x36: {  	p0 =	sne.s32 s2, $0x0;
	_ =	strace $0x9000004A  }
0x37: {  	s0 =	sadd.s32 @!p0 $0x100000, s0;
	[bflag:$0x2] =	sbarrier.arrive $0xFFFF  }
0x38: {  	[sflag:s0] =	ssyncadd.tile.s32 @!p0 $0x1;
	_ =	shalt  }
.Lfunc_end2:
_tile_overlayer_lowered:
.L_overlay_start_2:
0x39: {  	(tag) =	ssettag $0x2  }
0x3a: {  	s0 =	rddreg [dreg:$0x0];
	s2 =	stileid.u32  }
0x3b: {  	s1 =	rddreg [dreg:$0x1];
	p0 =	sne.s32 s2, $0x0  }
0x3c: {  	s3 =	rddreg [dreg:$0x2];
	[bflag:$0x3] =	sbarrier.arrive $0xFFFF;
	s2 =	simm.s32 @!p0 $0x1C03  }
0x3d: {  	[timem:s3], [sflag:s2] =	dma.local @!p0 [hbm:s0], s1  }
0x3e: {  	s0 =	simm.s32 @!p0 $0x3  }
0x3f: {  	_ =	swait.ge @!p0 [sflag:s0], s1  }
0x40: {  	s1 =	ssub.s32 @!p0 $0x0, s1;
	[sflag:s0] =	ssyncset.done @!p0 $0x0  }
0x41: {  	[sflag:s0] =	ssyncadd.s32 @!p0 s1  }
0x42: {  	[bflag:$0x3] =	sbarrier.arrive $0xFFFF  }
0x43: {  	_ =	shalt  }

// kernel: kernel.17.cloned.1.call-start
scs
__scs_entry_jumppad:
0x0: {  	(pc) =	sbr.rel $0x88, $3  }
0x1: {  	(tag) =	ssettag $0x0;
	lr =	simm.s32 $0x1  }
0x2: {  	[smem:$0x3F96] =	sst lr;
	_ =	strace $0xD0000000  }
0x3: {  	_ = 	snop  }
0x4: {  	_ = 	snop  }
0x5: {  	_ = 	snop  }
0x6: {  	_ = 	snop  }
0x7: {  	_ = 	snop  }
__scs_overlays_trampoline_lowered:
0x8: {  	[smem:$0x3FA5] =	sst s0  }
0x9: {  	[smem:$0x3FA6] =	sst s1  }
0xa: {  	[smem:$0x3FA7] =	sst s2  }
0xb: {  	[smem:$0x3FA8] =	sst s3  }
0xc: {  	[smem:$0x3FA9] =	sst s4  }
0xd: {  	[smem:$0x3FAA] =	sst s5  }
0xe: {  	[smem:$0x3FAB] =	sst s6  }
0xf: {  	[smem:$0x3FAC] =	sst s7  }
0x10: {  	[smem:$0x3FAD] =	sst s8  }
0x11: {  	[smem:$0x3FAE] =	sst s9;
	s0 =	simm.s32 @!p0 $0x0  }
0x12: {  	s1 =	sld [smem:$0x3F94];
	s0 =	simm.s32 @p0 $0x1  }
0x13: {  	[smem:$0x3FAF] =	sst s0;
	s0 =	simm.s32 @!p1 $0x0  }
0x14: {  	s2 =	sld [smem:$0x3F93];
	s0 =	simm.s32 @p1 $0x1  }
0x15: {  	[smem:$0x3FB0] =	sst s0;
	s0 =	simm.s32 @!p2 $0x0  }
0x16: {  	s3 =	sld [smem:$0x3FDB];
	s0 =	simm.s32 @p2 $0x1  }
0x17: {  	s4 =	simm.s32 $0x1BF5;
	[smem:$0x3FB2] =	sst s0  }
0x18: {  	s0 =	sld [smem:$0x3F95];
	_ =	swait.ge [sflag:s4], $0x0  }
0x19: {  	s7 =	sld [smem:$0x3F96]  }
0x1a: {  	s8 =	sadd.s32 $0xFFFFE003, lr  }
0x1b: {  	s9 =	sadd.s32 $0xFFFFFEF7, lr;
	s5 =	simm.s32 $0xFFFFFFFF;
	p2 =	slt.u32 s8, $0xFFFFF086  }
0x1c: {  	p1 =	slt.u32 s9, $0xF7A;
	s5 =	simm.s32 @!p2 $0x0  }
0x1d: {  	s5 =	simm.s32 @p1 $0x1;
	p0 =	seq.s32 s7, s2  }
0x1e: {  	s7 =	smul.u32 @!p0 $0xF7A, s2;
	p2 =	seq.s32 @!p0 s5, $0x0  }
0x1f: {  	s9 =	smul.u32 $0xF7A, s1;
	s8 =	simm.s32 @!p0 $0x1BF5;
	p2 =	por !p2, p0  }
0x20: {  	[sflag:s8] =	ssyncset.s32 @!p0 $0xFFFFF086;
	s6 =	sadd.s32 @!p0 s3, s7;
	s7 =	simm.s32 @!p0 $0x108  }
0x21: {  	s3 =	sadd.s32 s3, s9;
	s6 =	sadd.s32 @!p0 $0x88, s6;
	s7 =	simm.s32 @p2 $0x1082  }
0x22: {  	[simem:s7], [sflag:s8] =	dma.local @!p0 [hbm:s6], $0xF7A  }
0x23: {  	s9 =	sor.u32 $0xD0000000, s2;
	s6 =	simm.s32 $0x108;
	_ =	swait.ge @!p0 [sflag:s8], $0x0  }
0x24: {  	s3 =	sadd.s32 $0x88, s3;
	s6 =	simm.s32 @!p1 $0x1082;
	[sflag:s4] =	ssyncset.s32 $0xFFFFF086  }
0x25: {  	[simem:s6], [sflag:s4] =	dma.local [hbm:s3], $0xF7A  }
0x26: {  	[smem:$0x3F96] =	sst s1;
	(tag) =	ssettag s2;
	_ =	strace s9  }
0x27: {  	s1 =	sld [smem:$0x3FA6]  }
0x28: {  	s2 =	sld [smem:$0x3FA7]  }
0x29: {  	s4 =	sld [smem:$0x3FA9]  }
0x2a: {  	p0 =	seq.s32 s5, $0x0;
	s5 =	sld [smem:$0x3FAA]  }
0x2b: {  	s6 =	sld [smem:$0x3FAB]  }
0x2c: {  	s7 =	sld [smem:$0x3FAC]  }
0x2d: {  	s3 =	simm.s32 $0x108;
	s8 =	sld [smem:$0x3FAD]  }
0x2e: {  	s3 =	simm.s32 @!p0 $0x1082;
	s9 =	sld [smem:$0x3FAE]  }
0x2f: {  	lr =	sadd.s32 s0, s3;
	s0 =	sld [smem:$0x3FA5]  }
0x30: {  	s3 =	sld [smem:$0x3FA8]  }
0x31: {  	[smem:$0x3FB1] =	sst s10  }
0x32: {  	s10 =	sld [smem:$0x3FAF];
	_ =	sdelay $0x3  }
0x33: {  	p0 =	seq.s32 s10, $0x1;
	s10 =	sld [smem:$0x3FB1];
	_ =	sdelay $0x3  }
0x34: {  	[smem:$0x3FB1] =	sst s10  }
0x35: {  	s10 =	sld [smem:$0x3FB0];
	_ =	sdelay $0x3  }
0x36: {  	p1 =	seq.s32 s10, $0x1;
	s10 =	sld [smem:$0x3FB1];
	_ =	sdelay $0x3  }
0x37: {  	[smem:$0x3FB1] =	sst s10  }
0x38: {  	s10 =	sld [smem:$0x3FB2]  }
0x39: {  	_ = 	snop;
	(pc) =	sbr.ind lr, $3  }
0x3a: {  	_ = 	snop  }
0x3b: {  	_ = 	snop  }
0x3c: {  	p2 =	seq.s32 s10, $0x1;
	s10 =	sld [smem:$0x3FB1]  }
0x3d: {  	_ =	shalt  }
0x3e: {  	_ =	shalt  }
0x3f: {  	_ =	shalt  }
0x40: {  	_ =	shalt  }
0x41: {  	_ =	shalt  }
0x42: {  	_ =	shalt  }
0x43: {  	_ =	shalt  }
0x44: {  	_ =	shalt  }
0x45: {  	_ =	shalt  }
0x46: {  	_ =	shalt  }
0x47: {  	_ =	shalt  }
0x48: {  	_ =	shalt  }
0x49: {  	_ =	shalt  }
0x4a: {  	_ =	shalt  }
0x4b: {  	_ =	shalt  }
0x4c: {  	_ =	shalt  }
0x4d: {  	_ =	shalt  }
0x4e: {  	_ =	shalt  }
0x4f: {  	_ =	shalt  }
0x50: {  	_ =	shalt  }
0x51: {  	_ =	shalt  }
0x52: {  	_ =	shalt  }
0x53: {  	_ =	shalt  }
0x54: {  	_ =	shalt  }
0x55: {  	_ =	shalt  }
0x56: {  	_ =	shalt  }
0x57: {  	_ =	shalt  }
0x58: {  	_ =	shalt  }
0x59: {  	_ =	shalt  }
0x5a: {  	_ =	shalt  }
0x5b: {  	_ =	shalt  }
0x5c: {  	_ =	shalt  }
0x5d: {  	_ =	shalt  }
0x5e: {  	_ =	shalt  }
0x5f: {  	_ =	shalt  }
0x60: {  	_ =	shalt  }
0x61: {  	_ =	shalt  }
0x62: {  	_ =	shalt  }
0x63: {  	_ =	shalt  }
0x64: {  	_ =	shalt  }
0x65: {  	_ =	shalt  }
0x66: {  	_ =	shalt  }
0x67: {  	_ =	shalt  }
0x68: {  	_ =	shalt  }
0x69: {  	_ =	shalt  }
0x6a: {  	_ =	shalt  }
0x6b: {  	_ =	shalt  }
0x6c: {  	_ =	shalt  }
0x6d: {  	_ =	shalt  }
0x6e: {  	_ =	shalt  }
0x6f: {  	_ =	shalt  }
0x70: {  	_ =	shalt  }
0x71: {  	_ =	shalt  }
0x72: {  	_ =	shalt  }
0x73: {  	_ =	shalt  }
0x74: {  	_ =	shalt  }
0x75: {  	_ =	shalt  }
0x76: {  	_ =	shalt  }
0x77: {  	_ =	shalt  }
0x78: {  	_ =	shalt  }
0x79: {  	_ =	shalt  }
0x7a: {  	_ =	shalt  }
0x7b: {  	_ =	shalt  }
0x7c: {  	_ =	shalt  }
0x7d: {  	_ =	shalt  }
0x7e: {  	_ =	shalt  }
0x7f: {  	_ =	shalt  }
0x80: {  	_ =	shalt  }
0x81: {  	_ =	shalt  }
0x82: {  	_ =	shalt  }
0x83: {  	_ =	shalt  }
0x84: {  	_ =	shalt  }
0x85: {  	_ =	shalt  }
0x86: {  	_ =	shalt  }
0x87: {  	_ =	shalt  }
.Lfunc_end0:
.L_simem_size_0:
called_computation.2_lowered:
.L_overlay_start_0:
0x88: {  	s2 =	sld [smem:$0x3FD9]  }
0x89: {  	s3 =	sld [smem:$0x3FFE];
	_ =	sdelay $0x1  }
0x8a: {  	s1 =	srdreg.scid  }
0x8b: {  	s0 =	sand.u32 $0x1, s1  }
0x8c: {  	s16 =	sshll.u32 s0, $0xA;
	s2 =	sadd.s32 s3, s2  }
0x8d: {  	s2 =	sadd.s32 s2, s16  }
0x8e: {  	[smem:$0x3FBD] =	sst s2  }
0x8f: {  	_ = 	snop  }
0x90: {  	(tm) =	ssettm $0x1  }
0x91: {  	s17 =	sld [smem:$0x3FFB];
	_ =	sdelay $0x3  }
0x92: {  	_ =	strace s17  }
0x93: {  	s2 =	sld [smem:$0x3FFC];
	_ =	sdelay $0x3  }
0x94: {  	_ =	strace s2  }
0x95: {  	s2 =	sld [smem:$0x3FFD];
	_ =	sdelay $0x3  }
0x96: {  	_ =	strace s2  }
0x97: {  	_ =	strace $0x8FFFFFFF  }
0x98: {  	s18 =	sld [smem:$0x3FDB];
	_ =	sdelay $0x1  }
0x99: {  	s19 =	simm.s32 $_scs_section_size  }
0x9a: {  	s4 =	simm.s32 $_size__tile_overlayer_lowered;
	s5 =	simm.s32 $_tile_overlayer_lowered  }
0x9b: {  	s22 =	simm.s32 $0x1BFF;
	s21 =	sshll.u32 s5, $0x1;
	s2 =	sadd.s32 s19, s18  }
0x9c: {  	s6 =	simm.s32 $0x0;
	s20 =	sshll.u32 s4, $0x1;
	s4 =	sadd.s32 s21, s2  }
0x9d: {  	[timem:s6], [sflag:s22] =	dma.local [hbm:s4], s20  }
0x9e: {  	_ =	swait.ge [sflag:s22], s20  }
0x9f: {  	s3 =	ssub.s32 $0x0, s20;
	[sflag:s22] =	ssyncset.done $0x0  }
0xa0: {  	[sflag:s22] =	ssyncadd.s32 s3;
	_ =	sdelay $0x1  }
0xa1: {  	s23 =	simm.s32 $0x1B8B  }
0xa2: {  	_ =	swait.ge [sflag:s23], $0x1  }
0xa3: {  	[sflag:s23] =	ssyncset.done $0x0  }
0xa4: {  	s25 =	simm.s32 $0x1B8E;
	s24 =	sld [smem:$0x3FFE];
	[sflag:s23] =	ssyncadd.s32 $0xFFFFFFFF  }
0xa5: {  	s26 =	simm.s32 $execute0_lowered;
	[smem:$0x3FD2] =	sst s25  }
0xa6: {  	s4 =	sshll.u32 s26, $0x1;
	_ =	strace $0x8000004C;
	[dreg:$0x1] =	wrdreg $0xFFFFFFFF  }
0xa7: {  	s28 =	simm.s32 $_size_execute0_lowered;
	s2 =	sadd.s32 s2, s4;
	[dreg:$0x0] =	wrdreg $0x0  }
0xa8: {  	s4 =	sshll.u32 s28, $0x1;
	[dreg:$0x2] =	wrdreg s2  }
0xa9: {  	[dreg:$0x3] =	wrdreg s4  }
0xaa: {  	[dreg:$0x4] =	wrdreg $0xC0  }
0xab: {  	_ =	task [dreg:s6], $0x5FFFF  }
0xac: {  	[dreg:$0x1] =	wrdreg $0xFFFFFFFF  }
0xad: {  	[dreg:$0x0] =	wrdreg $0x60  }
0xae: {  	[dreg:$0x2] =	wrdreg s24  }
0xaf: {  	[dreg:$0x3] =	wrdreg $0xA8000  }
0xb0: {  	[dreg:$0x4] =	wrdreg $0x9  }
0xb1: {  	_ =	task.clear_ibuf [dreg:s6], $0x5FFFF;
	_ =	strace $0x9000004C  }
0xb2: {  	s29 =	simm.s32 $0x9;
	_ =	strace $0x8000004E  }
0xb3: {  	_ =	swait.ge [sflag:s29], $0x1  }
0xb4: {  	[sflag:s29] =	ssyncadd.s32 $0xFFFFFFFF  }
0xb5: {  	_ =	strace $0x9000004E  }
0xb6: {  	_ =	sfence  }
0xb7: {  	s30 =	sld [smem:$0x0];
	_ =	sdelay $0x2  }
0xb8: {  	s31 =	sshll.u32 s1, $0xD;
	s1 =	sshrl.u32 s1, $0x2  }
0xb9: {  	s3 =	sand.u32 $0x4000, s31;
	s1 =	sadd.s32 s1, s30  }
0xba: {  	s0 =	sor.u32 s3, s0;
	s1 =	sshll.u32 s1, $0x11  }
0xbb: {  	s0 =	sor.u32 s1, s0  }
0xbc: {  	s0 =	sadd.s32 $0x8F2B, s0  }
0xbd: {  	[sflag:s0] =	ssyncadd.remote.s32 $0x1  }
0xbe: {  	_ =	sfence.sel $0xFFFF  }
0xbf: {  	[dreg:$0x0] =	wrdreg $0xFFFFFFFF;
	(pc) =	sbr.abs _section_cstart, $3  }
0xc0: {  	[dreg:$0x1] =	wrdreg $0xFFFFFFFF  }
0xc1: {  	_ =	task.clear_ibuf [dreg:s6], $0x2FFFF;
	_ =	strace $0x9FFFFFFF  }
0xc2: {  	(tm) =	ssettm $0x7FFFFFFF  }
0xc3: {  	_ =	shalt  }
tec
execute0_lowered:
.L_overlay_start_1:
0x0: {  	(tag) =	ssettag $0x1  }
0x1: {  	s5 =	rddreg [dreg:$0x0]  }
0x2: {  	s1 =	rddreg [dreg:$0x1]  }
0x3: {  	s2 =	srdreg.scid;
	s0 =	rddreg [dreg:$0x2]  }
0x4: {  	s3 =	simm.s32 $0x0;
	s15 =	simm.s32 $0x1;
	s7 =	sand.u32 $0x1, s2  }
0x5: {  	s16 =	simm.s32 $0x2;
	s2 =	stileid.u32;
	s6 =	smul.u32 $0x6800, s7  }
0x6: {  	[smem:$0x7FF] =	sst s3;
	s4 =	sadd.s32 $0x1C600, s5;
	s17 =	smul.u32 $0x2800, s2  }
0x7: {  	_ =	strace $0x8000004D;
	s8 =	smul.u32 $0x28000, s7;
	s26 =	ssub.s32 $0x2, s7  }
0x8: {  	s10 =	smul.u32 $0x50000, s2;
	s30 =	sshll.u32 s2, $0x6;
	p0 =	seq.s32 s7, $0x0  }
0x9: {  	s7 =	simm.s32 $0x3A;
	s13 =	smul.u32 $0x680, s2;
	s28 =	sshrl.u32 s26, $0x1  }
0xa: {  	s7 =	simm.s32 @!p0 $0x63;
	s9 =	sadd.s32 s6, s5;
	s11 =	sadd.s32 s17, s5  }
0xb: {  	s8 =	sadd.s32 s8, s5;
	s12 =	ssub.s32 s26, s28;
	s29 =	sshrl.u32 s10, $0x2  }
0xc: {  	s6 =	sor.u32 $0x1C03, s30;
	s10 =	sadd.s32 s29, s1;
	s5 =	sadd.s32 $0xB8C00, s11  }
0xd: {  	s31 =	sadd.s32 $0x2600, s9;
	s14 =	sadd.s32 $0xF600, s9;
	s18 =	sadd.s32 $0x43800, s8  }
0xe: {  	s8 =	smax.u32 s12, $0x1;
	s9 =	sshrl.u32 s10, $0x3;
	s10 =	simm.s32 $0x3  }
0xf: {  	s11 =	sadd.s32 s13, s31;
	s12 =	sadd.s32 s13, s14;
	s13 =	simm.s32 $0x80  }
0x10: {  	s14 =	simm.s32 $0x6800;
	s17 =	sadd.s32 s17, s18;
	s18 =	simm.s32 $0x0  }
.LBB2_1:
0x11: {  	[spmem:s9], [sflag:s6] =	dma.local [hbm:s5], $0x2800  }
0x12: {  	_ =	swait.ge [sflag:s10], $0x2800  }
0x13: {  	[sflag:s10] =	ssyncset.done $0x0  }
0x14: {  	[sflag:s10] =	ssyncadd.s32 $0xFFFFD800  }
0x15: {  	[tilespmem:s3], [sflag:$0x3] =	stream.linear.gather [hbm4b:s11+s3], $0x3180, $0x38;
	[tilespmem:$0x1E800] =	vst v63  }
0x16: {  	_ =	swait.ge [sflag:s10], $0x3180  }
0x17: {  	[sflag:s10] =	ssyncset.done $0x0  }
0x18: {  	s19 =	simm.s32 $0x3400;
	[sflag:s10] =	ssyncadd.s32 $0xFFFFCE80  }
0x19: {  	[tilespmem:s19], [sflag:$0x3] =	stream.linear.gather [hbm4b:s12+s3], $0x3180, $0x38;
	[tilespmem:$0x1E800] =	vst v63  }
0x1a: {  	_ =	swait.ge [sflag:s10], $0x3180  }
0x1b: {  	[sflag:s10] =	ssyncset.done $0x0  }
0x1c: {  	[sflag:s10] =	ssyncadd.s32 $0xFFFFCE80  }
0x1d: {  	[bflag:$0x0] =	sbarrier.arrive $0xFFFF  }
0x1e: {  	[tilespmem:s14], [sflag:$0x1] =	stream.indirect.gather [hbm4b:s4+s13], $0x80, s3, s13, $0xb8;
	[tilespmem:$0x1E800] =	vst v63  }
0x1f: {  	p0 =	sne.s32 s7, $0x1;
	_ =	swait.ge [sflag:s15], $0x4000  }
.Ltmp0:
0x20: {  	[sflag:s15] =	ssyncset.done $0x0;
	(pc) =	sbr.rel @!p0 .LBB2_3-.Ltmp0, $4  }
0x21: {  	[sflag:s15] =	ssyncadd.s32 $0xFFFFC000  }
0x22: {  	[spmem:s1] =	stream.indirect.scatter.add.f32 [tilespmem:s14], [sflag:$0x2], $0x80, s19, s13, $0xb8;
	[tilespmem:$0x1E800] =	vst v63  }
0x23: {  	_ =	swait.ge [sflag:s16], $0x4000  }
0x24: {  	s20 =	sadd.s32 $0xFFFFFFFF, s7;
	s21 =	simm.s32 $0x0;
	[sflag:s16] =	ssyncset.done $0x0  }
.LBB2_2:
0x25: {  	[sflag:s16] =	ssyncadd.s32 $0xFFFFC000;
	s21 =	sadd.s32 $0x80, s21;
	s19 =	sadd.s32 $0x80, s19  }
0x26: {  	[tilespmem:s14], [sflag:$0x1] =	stream.indirect.gather [hbm4b:s4+s13], $0x80, s21, s13, $0xb8;
	[tilespmem:$0x1E800] =	vst v63  }
0x27: {  	p0 =	sne.s32 s20, $0x1;
	s20 =	sadd.s32 $0xFFFFFFFF, s20;
	_ =	swait.ge [sflag:s15], $0x4000  }
.Ltmp1:
0x28: {  	[sflag:s15] =	ssyncset.done $0x0;
	(pc) =	sbr.rel @p0 .LBB2_2-.Ltmp1, $4  }
0x29: {  	[sflag:s15] =	ssyncadd.s32 $0xFFFFC000  }
0x2a: {  	[spmem:s1] =	stream.indirect.scatter.add.f32 [tilespmem:s14], [sflag:$0x2], $0x80, s19, s13, $0xb8;
	[tilespmem:$0x1E800] =	vst v63  }
0x2b: {  	_ =	swait.ge [sflag:s16], $0x4000  }
0x2c: {  	[sflag:s16] =	ssyncset.done $0x0  }
.LBB2_3:
0x2d: {  	s18 =	sadd.s32 $0x1, s18  }
0x2e: {  	[sflag:s16] =	ssyncadd.s32 $0xFFFFC000;
	p0 =	sne.s32 s18, s8  }
.Ltmp2:
0x2f: {  	[bflag:$0x0] =	sbarrier.arrive $0xFFFF;
	(pc) =	sbr.rel @p0 .LBB2_1-.Ltmp2, $4  }
0x30: {  	[hbm:s17], [sflag:s6] =	dma.local [spmem:s9], $0x2800  }
0x31: {  	_ =	swait.ge [sflag:s10], $0x2800  }
0x32: {  	[sflag:s10] =	ssyncset.done $0x0  }
0x33: {  	[sflag:s10] =	ssyncadd.s32 $0xFFFFD800  }
0x34: {  	_ =	sfence.sel $0x180000  }
0x35: {  	[bflag:$0x0] =	sbarrier.arrive $0xFFFF  }
0x36: {  	p0 =	sne.s32 s2, $0x0;
	_ =	strace $0x9000004D  }
0x37: {  	s0 =	sadd.s32 @!p0 $0x100000, s0;
	[bflag:$0x2] =	sbarrier.arrive $0xFFFF  }
0x38: {  	[sflag:s0] =	ssyncadd.tile.s32 @!p0 $0x1;
	_ =	shalt  }
.Lfunc_end2:
_tile_overlayer_lowered:
.L_overlay_start_2:
0x39: {  	(tag) =	ssettag $0x2  }
0x3a: {  	s0 =	rddreg [dreg:$0x0];
	s2 =	stileid.u32  }
0x3b: {  	s1 =	rddreg [dreg:$0x1];
	p0 =	sne.s32 s2, $0x0  }
0x3c: {  	s3 =	rddreg [dreg:$0x2];
	[bflag:$0x3] =	sbarrier.arrive $0xFFFF;
	s2 =	simm.s32 @!p0 $0x1C03  }
0x3d: {  	[timem:s3], [sflag:s2] =	dma.local @!p0 [hbm:s0], s1  }
0x3e: {  	s0 =	simm.s32 @!p0 $0x3  }
0x3f: {  	_ =	swait.ge @!p0 [sflag:s0], s1  }
0x40: {  	s1 =	ssub.s32 @!p0 $0x0, s1;
	[sflag:s0] =	ssyncset.done @!p0 $0x0  }
0x41: {  	[sflag:s0] =	ssyncadd.s32 @!p0 s1  }
0x42: {  	[bflag:$0x3] =	sbarrier.arrive $0xFFFF  }
0x43: {  	_ =	shalt  }

// kernel: kernel.20.cloned.1.call-start
scs
__scs_entry_jumppad:
0x0: {  	(pc) =	sbr.rel $0x88, $3  }
0x1: {  	(tag) =	ssettag $0x0;
	lr =	simm.s32 $0x1  }
0x2: {  	[smem:$0x3F96] =	sst lr;
	_ =	strace $0xD0000000  }
0x3: {  	_ = 	snop  }
0x4: {  	_ = 	snop  }
0x5: {  	_ = 	snop  }
0x6: {  	_ = 	snop  }
0x7: {  	_ = 	snop  }
__scs_overlays_trampoline_lowered:
0x8: {  	[smem:$0x3FA5] =	sst s0  }
0x9: {  	[smem:$0x3FA6] =	sst s1  }
0xa: {  	[smem:$0x3FA7] =	sst s2  }
0xb: {  	[smem:$0x3FA8] =	sst s3  }
0xc: {  	[smem:$0x3FA9] =	sst s4  }
0xd: {  	[smem:$0x3FAA] =	sst s5  }
0xe: {  	[smem:$0x3FAB] =	sst s6  }
0xf: {  	[smem:$0x3FAC] =	sst s7  }
0x10: {  	[smem:$0x3FAD] =	sst s8  }
0x11: {  	[smem:$0x3FAE] =	sst s9;
	s0 =	simm.s32 @!p0 $0x0  }
0x12: {  	s1 =	sld [smem:$0x3F94];
	s0 =	simm.s32 @p0 $0x1  }
0x13: {  	[smem:$0x3FAF] =	sst s0;
	s0 =	simm.s32 @!p1 $0x0  }
0x14: {  	s2 =	sld [smem:$0x3F93];
	s0 =	simm.s32 @p1 $0x1  }
0x15: {  	[smem:$0x3FB0] =	sst s0;
	s0 =	simm.s32 @!p2 $0x0  }
0x16: {  	s3 =	sld [smem:$0x3FDB];
	s0 =	simm.s32 @p2 $0x1  }
0x17: {  	s4 =	simm.s32 $0x1BF5;
	[smem:$0x3FB2] =	sst s0  }
0x18: {  	s0 =	sld [smem:$0x3F95];
	_ =	swait.ge [sflag:s4], $0x0  }
0x19: {  	s7 =	sld [smem:$0x3F96]  }
0x1a: {  	s8 =	sadd.s32 $0xFFFFE003, lr  }
0x1b: {  	s9 =	sadd.s32 $0xFFFFFEF7, lr;
	s5 =	simm.s32 $0xFFFFFFFF;
	p2 =	slt.u32 s8, $0xFFFFF086  }
0x1c: {  	p1 =	slt.u32 s9, $0xF7A;
	s5 =	simm.s32 @!p2 $0x0  }
0x1d: {  	s5 =	simm.s32 @p1 $0x1;
	p0 =	seq.s32 s7, s2  }
0x1e: {  	s7 =	smul.u32 @!p0 $0xF7A, s2;
	p2 =	seq.s32 @!p0 s5, $0x0  }
0x1f: {  	s9 =	smul.u32 $0xF7A, s1;
	s8 =	simm.s32 @!p0 $0x1BF5;
	p2 =	por !p2, p0  }
0x20: {  	[sflag:s8] =	ssyncset.s32 @!p0 $0xFFFFF086;
	s6 =	sadd.s32 @!p0 s3, s7;
	s7 =	simm.s32 @!p0 $0x108  }
0x21: {  	s3 =	sadd.s32 s3, s9;
	s6 =	sadd.s32 @!p0 $0x88, s6;
	s7 =	simm.s32 @p2 $0x1082  }
0x22: {  	[simem:s7], [sflag:s8] =	dma.local @!p0 [hbm:s6], $0xF7A  }
0x23: {  	s9 =	sor.u32 $0xD0000000, s2;
	s6 =	simm.s32 $0x108;
	_ =	swait.ge @!p0 [sflag:s8], $0x0  }
0x24: {  	s3 =	sadd.s32 $0x88, s3;
	s6 =	simm.s32 @!p1 $0x1082;
	[sflag:s4] =	ssyncset.s32 $0xFFFFF086  }
0x25: {  	[simem:s6], [sflag:s4] =	dma.local [hbm:s3], $0xF7A  }
0x26: {  	[smem:$0x3F96] =	sst s1;
	(tag) =	ssettag s2;
	_ =	strace s9  }
0x27: {  	s1 =	sld [smem:$0x3FA6]  }
0x28: {  	s2 =	sld [smem:$0x3FA7]  }
0x29: {  	s4 =	sld [smem:$0x3FA9]  }
0x2a: {  	p0 =	seq.s32 s5, $0x0;
	s5 =	sld [smem:$0x3FAA]  }
0x2b: {  	s6 =	sld [smem:$0x3FAB]  }
0x2c: {  	s7 =	sld [smem:$0x3FAC]  }
0x2d: {  	s3 =	simm.s32 $0x108;
	s8 =	sld [smem:$0x3FAD]  }
0x2e: {  	s3 =	simm.s32 @!p0 $0x1082;
	s9 =	sld [smem:$0x3FAE]  }
0x2f: {  	lr =	sadd.s32 s0, s3;
	s0 =	sld [smem:$0x3FA5]  }
0x30: {  	s3 =	sld [smem:$0x3FA8]  }
0x31: {  	[smem:$0x3FB1] =	sst s10  }
0x32: {  	s10 =	sld [smem:$0x3FAF];
	_ =	sdelay $0x3  }
0x33: {  	p0 =	seq.s32 s10, $0x1;
	s10 =	sld [smem:$0x3FB1];
	_ =	sdelay $0x3  }
0x34: {  	[smem:$0x3FB1] =	sst s10  }
0x35: {  	s10 =	sld [smem:$0x3FB0];
	_ =	sdelay $0x3  }
0x36: {  	p1 =	seq.s32 s10, $0x1;
	s10 =	sld [smem:$0x3FB1];
	_ =	sdelay $0x3  }
0x37: {  	[smem:$0x3FB1] =	sst s10  }
0x38: {  	s10 =	sld [smem:$0x3FB2]  }
0x39: {  	_ = 	snop;
	(pc) =	sbr.ind lr, $3  }
0x3a: {  	_ = 	snop  }
0x3b: {  	_ = 	snop  }
0x3c: {  	p2 =	seq.s32 s10, $0x1;
	s10 =	sld [smem:$0x3FB1]  }
0x3d: {  	_ =	shalt  }
0x3e: {  	_ =	shalt  }
0x3f: {  	_ =	shalt  }
0x40: {  	_ =	shalt  }
0x41: {  	_ =	shalt  }
0x42: {  	_ =	shalt  }
0x43: {  	_ =	shalt  }
0x44: {  	_ =	shalt  }
0x45: {  	_ =	shalt  }
0x46: {  	_ =	shalt  }
0x47: {  	_ =	shalt  }
0x48: {  	_ =	shalt  }
0x49: {  	_ =	shalt  }
0x4a: {  	_ =	shalt  }
0x4b: {  	_ =	shalt  }
0x4c: {  	_ =	shalt  }
0x4d: {  	_ =	shalt  }
0x4e: {  	_ =	shalt  }
0x4f: {  	_ =	shalt  }
0x50: {  	_ =	shalt  }
0x51: {  	_ =	shalt  }
0x52: {  	_ =	shalt  }
0x53: {  	_ =	shalt  }
0x54: {  	_ =	shalt  }
0x55: {  	_ =	shalt  }
0x56: {  	_ =	shalt  }
0x57: {  	_ =	shalt  }
0x58: {  	_ =	shalt  }
0x59: {  	_ =	shalt  }
0x5a: {  	_ =	shalt  }
0x5b: {  	_ =	shalt  }
0x5c: {  	_ =	shalt  }
0x5d: {  	_ =	shalt  }
0x5e: {  	_ =	shalt  }
0x5f: {  	_ =	shalt  }
0x60: {  	_ =	shalt  }
0x61: {  	_ =	shalt  }
0x62: {  	_ =	shalt  }
0x63: {  	_ =	shalt  }
0x64: {  	_ =	shalt  }
0x65: {  	_ =	shalt  }
0x66: {  	_ =	shalt  }
0x67: {  	_ =	shalt  }
0x68: {  	_ =	shalt  }
0x69: {  	_ =	shalt  }
0x6a: {  	_ =	shalt  }
0x6b: {  	_ =	shalt  }
0x6c: {  	_ =	shalt  }
0x6d: {  	_ =	shalt  }
0x6e: {  	_ =	shalt  }
0x6f: {  	_ =	shalt  }
0x70: {  	_ =	shalt  }
0x71: {  	_ =	shalt  }
0x72: {  	_ =	shalt  }
0x73: {  	_ =	shalt  }
0x74: {  	_ =	shalt  }
0x75: {  	_ =	shalt  }
0x76: {  	_ =	shalt  }
0x77: {  	_ =	shalt  }
0x78: {  	_ =	shalt  }
0x79: {  	_ =	shalt  }
0x7a: {  	_ =	shalt  }
0x7b: {  	_ =	shalt  }
0x7c: {  	_ =	shalt  }
0x7d: {  	_ =	shalt  }
0x7e: {  	_ =	shalt  }
0x7f: {  	_ =	shalt  }
0x80: {  	_ =	shalt  }
0x81: {  	_ =	shalt  }
0x82: {  	_ =	shalt  }
0x83: {  	_ =	shalt  }
0x84: {  	_ =	shalt  }
0x85: {  	_ =	shalt  }
0x86: {  	_ =	shalt  }
0x87: {  	_ =	shalt  }
.Lfunc_end0:
.L_simem_size_0:
called_computation.3_lowered:
.L_overlay_start_0:
0x88: {  	s2 =	sld [smem:$0x3FD9]  }
0x89: {  	s3 =	sld [smem:$0x3FFE];
	_ =	sdelay $0x1  }
0x8a: {  	s1 =	srdreg.scid  }
0x8b: {  	s0 =	sand.u32 $0x1, s1  }
0x8c: {  	s16 =	sshll.u32 s0, $0xA;
	s2 =	sadd.s32 s3, s2  }
0x8d: {  	s2 =	sadd.s32 s2, s16  }
0x8e: {  	[smem:$0x3FBD] =	sst s2  }
0x8f: {  	_ = 	snop  }
0x90: {  	(tm) =	ssettm $0x1  }
0x91: {  	s17 =	sld [smem:$0x3FFB];
	_ =	sdelay $0x3  }
0x92: {  	_ =	strace s17  }
0x93: {  	s2 =	sld [smem:$0x3FFC];
	_ =	sdelay $0x3  }
0x94: {  	_ =	strace s2  }
0x95: {  	s2 =	sld [smem:$0x3FFD];
	_ =	sdelay $0x3  }
0x96: {  	_ =	strace s2  }
0x97: {  	_ =	strace $0x8FFFFFFF  }
0x98: {  	s18 =	sld [smem:$0x3FDB];
	_ =	sdelay $0x1  }
0x99: {  	s19 =	simm.s32 $_scs_section_size  }
0x9a: {  	s4 =	simm.s32 $_size__tile_overlayer_lowered;
	s5 =	simm.s32 $_tile_overlayer_lowered  }
0x9b: {  	s22 =	simm.s32 $0x1BFF;
	s21 =	sshll.u32 s5, $0x1;
	s2 =	sadd.s32 s19, s18  }
0x9c: {  	s6 =	simm.s32 $0x0;
	s20 =	sshll.u32 s4, $0x1;
	s4 =	sadd.s32 s21, s2  }
0x9d: {  	[timem:s6], [sflag:s22] =	dma.local [hbm:s4], s20  }
0x9e: {  	_ =	swait.ge [sflag:s22], s20  }
0x9f: {  	s3 =	ssub.s32 $0x0, s20;
	[sflag:s22] =	ssyncset.done $0x0  }
0xa0: {  	[sflag:s22] =	ssyncadd.s32 s3;
	_ =	sdelay $0x1  }
0xa1: {  	s23 =	simm.s32 $0x1B8B  }
0xa2: {  	_ =	swait.ge [sflag:s23], $0x1  }
0xa3: {  	[sflag:s23] =	ssyncset.done $0x0  }
0xa4: {  	s25 =	simm.s32 $0x1B8E;
	s24 =	sld [smem:$0x3FFE];
	[sflag:s23] =	ssyncadd.s32 $0xFFFFFFFF  }
0xa5: {  	s26 =	simm.s32 $execute0_lowered;
	[smem:$0x3FD2] =	sst s25  }
0xa6: {  	s4 =	sshll.u32 s26, $0x1;
	_ =	strace $0x8000004F;
	[dreg:$0x1] =	wrdreg $0xFFFFFFFF  }
0xa7: {  	s28 =	simm.s32 $_size_execute0_lowered;
	s2 =	sadd.s32 s2, s4;
	[dreg:$0x0] =	wrdreg $0x0  }
0xa8: {  	s4 =	sshll.u32 s28, $0x1;
	[dreg:$0x2] =	wrdreg s2  }
0xa9: {  	[dreg:$0x3] =	wrdreg s4  }
0xaa: {  	[dreg:$0x4] =	wrdreg $0xC0  }
0xab: {  	_ =	task [dreg:s6], $0x5FFFF  }
0xac: {  	[dreg:$0x1] =	wrdreg $0xFFFFFFFF  }
0xad: {  	[dreg:$0x0] =	wrdreg $0x60  }
0xae: {  	[dreg:$0x2] =	wrdreg s24  }
0xaf: {  	[dreg:$0x3] =	wrdreg $0xA8000  }
0xb0: {  	[dreg:$0x4] =	wrdreg $0x9  }
0xb1: {  	_ =	task.clear_ibuf [dreg:s6], $0x5FFFF;
	_ =	strace $0x9000004F  }
0xb2: {  	s29 =	simm.s32 $0x9;
	_ =	strace $0x80000051  }
0xb3: {  	_ =	swait.ge [sflag:s29], $0x1  }
0xb4: {  	[sflag:s29] =	ssyncadd.s32 $0xFFFFFFFF  }
0xb5: {  	_ =	strace $0x90000051  }
0xb6: {  	_ =	sfence  }
0xb7: {  	s30 =	sld [smem:$0x0];
	_ =	sdelay $0x2  }
0xb8: {  	s31 =	sshll.u32 s1, $0xD;
	s1 =	sshrl.u32 s1, $0x2  }
0xb9: {  	s3 =	sand.u32 $0x4000, s31;
	s1 =	sadd.s32 s1, s30  }
0xba: {  	s0 =	sor.u32 s3, s0;
	s1 =	sshll.u32 s1, $0x11  }
0xbb: {  	s0 =	sor.u32 s1, s0  }
0xbc: {  	s0 =	sadd.s32 $0x8F2B, s0  }
0xbd: {  	[sflag:s0] =	ssyncadd.remote.s32 $0x1  }
0xbe: {  	_ =	sfence.sel $0xFFFF  }
0xbf: {  	[dreg:$0x0] =	wrdreg $0xFFFFFFFF;
	(pc) =	sbr.abs _section_cstart, $3  }
0xc0: {  	[dreg:$0x1] =	wrdreg $0xFFFFFFFF  }
0xc1: {  	_ =	task.clear_ibuf [dreg:s6], $0x2FFFF;
	_ =	strace $0x9FFFFFFF  }
0xc2: {  	(tm) =	ssettm $0x7FFFFFFF  }
0xc3: {  	_ =	shalt  }
tec
execute0_lowered:
.L_overlay_start_1:
0x0: {  	(tag) =	ssettag $0x1  }
0x1: {  	s5 =	rddreg [dreg:$0x0]  }
0x2: {  	s1 =	rddreg [dreg:$0x1]  }
0x3: {  	s2 =	srdreg.scid;
	s0 =	rddreg [dreg:$0x2]  }
0x4: {  	s3 =	simm.s32 $0x0;
	s15 =	simm.s32 $0x1;
	s7 =	sand.u32 $0x1, s2  }
0x5: {  	s16 =	simm.s32 $0x2;
	s2 =	stileid.u32;
	s6 =	smul.u32 $0x6800, s7  }
0x6: {  	[smem:$0x7FF] =	sst s3;
	s4 =	sadd.s32 $0x1C600, s5;
	s17 =	smul.u32 $0x2800, s2  }
0x7: {  	_ =	strace $0x80000050;
	s8 =	smul.u32 $0x28000, s7;
	s26 =	ssub.s32 $0x2, s7  }
0x8: {  	s10 =	smul.u32 $0x50000, s2;
	s30 =	sshll.u32 s2, $0x6;
	p0 =	seq.s32 s7, $0x0  }
0x9: {  	s7 =	simm.s32 $0x3A;
	s13 =	smul.u32 $0x680, s2;
	s28 =	sshrl.u32 s26, $0x1  }
0xa: {  	s7 =	simm.s32 @!p0 $0x63;
	s9 =	sadd.s32 s6, s5;
	s11 =	sadd.s32 s17, s5  }
0xb: {  	s8 =	sadd.s32 s8, s5;
	s12 =	ssub.s32 s26, s28;
	s29 =	sshrl.u32 s10, $0x2  }
0xc: {  	s6 =	sor.u32 $0x1C03, s30;
	s10 =	sadd.s32 s29, s1;
	s5 =	sadd.s32 $0xB8C00, s11  }
0xd: {  	s31 =	sadd.s32 $0x2600, s9;
	s14 =	sadd.s32 $0xF600, s9;
	s18 =	sadd.s32 $0x43800, s8  }
0xe: {  	s8 =	smax.u32 s12, $0x1;
	s9 =	sshrl.u32 s10, $0x3;
	s10 =	simm.s32 $0x3  }
0xf: {  	s11 =	sadd.s32 s13, s31;
	s12 =	sadd.s32 s13, s14;
	s13 =	simm.s32 $0x80  }
0x10: {  	s14 =	simm.s32 $0x6800;
	s17 =	sadd.s32 s17, s18;
	s18 =	simm.s32 $0x0  }
.LBB2_1:
0x11: {  	[spmem:s9], [sflag:s6] =	dma.local [hbm:s5], $0x2800  }
0x12: {  	_ =	swait.ge [sflag:s10], $0x2800  }
0x13: {  	[sflag:s10] =	ssyncset.done $0x0  }
0x14: {  	[sflag:s10] =	ssyncadd.s32 $0xFFFFD800  }
0x15: {  	[tilespmem:s3], [sflag:$0x3] =	stream.linear.gather [hbm4b:s11+s3], $0x3180, $0x38;
	[tilespmem:$0x1E800] =	vst v63  }
0x16: {  	_ =	swait.ge [sflag:s10], $0x3180  }
0x17: {  	[sflag:s10] =	ssyncset.done $0x0  }
0x18: {  	s19 =	simm.s32 $0x3400;
	[sflag:s10] =	ssyncadd.s32 $0xFFFFCE80  }
0x19: {  	[tilespmem:s19], [sflag:$0x3] =	stream.linear.gather [hbm4b:s12+s3], $0x3180, $0x38;
	[tilespmem:$0x1E800] =	vst v63  }
0x1a: {  	_ =	swait.ge [sflag:s10], $0x3180  }
0x1b: {  	[sflag:s10] =	ssyncset.done $0x0  }
0x1c: {  	[sflag:s10] =	ssyncadd.s32 $0xFFFFCE80  }
0x1d: {  	[bflag:$0x0] =	sbarrier.arrive $0xFFFF  }
0x1e: {  	[tilespmem:s14], [sflag:$0x1] =	stream.indirect.gather [hbm4b:s4+s13], $0x80, s3, s13, $0xb8;
	[tilespmem:$0x1E800] =	vst v63  }
0x1f: {  	p0 =	sne.s32 s7, $0x1;
	_ =	swait.ge [sflag:s15], $0x4000  }
.Ltmp0:
0x20: {  	[sflag:s15] =	ssyncset.done $0x0;
	(pc) =	sbr.rel @!p0 .LBB2_3-.Ltmp0, $4  }
0x21: {  	[sflag:s15] =	ssyncadd.s32 $0xFFFFC000  }
0x22: {  	[spmem:s1] =	stream.indirect.scatter.add.f32 [tilespmem:s14], [sflag:$0x2], $0x80, s19, s13, $0xb8;
	[tilespmem:$0x1E800] =	vst v63  }
0x23: {  	_ =	swait.ge [sflag:s16], $0x4000  }
0x24: {  	s20 =	sadd.s32 $0xFFFFFFFF, s7;
	s21 =	simm.s32 $0x0;
	[sflag:s16] =	ssyncset.done $0x0  }
.LBB2_2:
0x25: {  	[sflag:s16] =	ssyncadd.s32 $0xFFFFC000;
	s21 =	sadd.s32 $0x80, s21;
	s19 =	sadd.s32 $0x80, s19  }
0x26: {  	[tilespmem:s14], [sflag:$0x1] =	stream.indirect.gather [hbm4b:s4+s13], $0x80, s21, s13, $0xb8;
	[tilespmem:$0x1E800] =	vst v63  }
0x27: {  	p0 =	sne.s32 s20, $0x1;
	s20 =	sadd.s32 $0xFFFFFFFF, s20;
	_ =	swait.ge [sflag:s15], $0x4000  }
.Ltmp1:
0x28: {  	[sflag:s15] =	ssyncset.done $0x0;
	(pc) =	sbr.rel @p0 .LBB2_2-.Ltmp1, $4  }
0x29: {  	[sflag:s15] =	ssyncadd.s32 $0xFFFFC000  }
0x2a: {  	[spmem:s1] =	stream.indirect.scatter.add.f32 [tilespmem:s14], [sflag:$0x2], $0x80, s19, s13, $0xb8;
	[tilespmem:$0x1E800] =	vst v63  }
0x2b: {  	_ =	swait.ge [sflag:s16], $0x4000  }
0x2c: {  	[sflag:s16] =	ssyncset.done $0x0  }
.LBB2_3:
0x2d: {  	s18 =	sadd.s32 $0x1, s18  }
0x2e: {  	[sflag:s16] =	ssyncadd.s32 $0xFFFFC000;
	p0 =	sne.s32 s18, s8  }
.Ltmp2:
0x2f: {  	[bflag:$0x0] =	sbarrier.arrive $0xFFFF;
	(pc) =	sbr.rel @p0 .LBB2_1-.Ltmp2, $4  }
0x30: {  	[hbm:s17], [sflag:s6] =	dma.local [spmem:s9], $0x2800  }
0x31: {  	_ =	swait.ge [sflag:s10], $0x2800  }
0x32: {  	[sflag:s10] =	ssyncset.done $0x0  }
0x33: {  	[sflag:s10] =	ssyncadd.s32 $0xFFFFD800  }
0x34: {  	_ =	sfence.sel $0x180000  }
0x35: {  	[bflag:$0x0] =	sbarrier.arrive $0xFFFF  }
0x36: {  	p0 =	sne.s32 s2, $0x0;
	_ =	strace $0x90000050  }
0x37: {  	s0 =	sadd.s32 @!p0 $0x100000, s0;
	[bflag:$0x2] =	sbarrier.arrive $0xFFFF  }
0x38: {  	[sflag:s0] =	ssyncadd.tile.s32 @!p0 $0x1;
	_ =	shalt  }
.Lfunc_end2:
_tile_overlayer_lowered:
.L_overlay_start_2:
0x39: {  	(tag) =	ssettag $0x2  }
0x3a: {  	s0 =	rddreg [dreg:$0x0];
	s2 =	stileid.u32  }
0x3b: {  	s1 =	rddreg [dreg:$0x1];
	p0 =	sne.s32 s2, $0x0  }
0x3c: {  	s3 =	rddreg [dreg:$0x2];
	[bflag:$0x3] =	sbarrier.arrive $0xFFFF;
	s2 =	simm.s32 @!p0 $0x1C03  }
0x3d: {  	[timem:s3], [sflag:s2] =	dma.local @!p0 [hbm:s0], s1  }
0x3e: {  	s0 =	simm.s32 @!p0 $0x3  }
0x3f: {  	_ =	swait.ge @!p0 [sflag:s0], s1  }
0x40: {  	s1 =	ssub.s32 @!p0 $0x0, s1;
	[sflag:s0] =	ssyncset.done @!p0 $0x0  }
0x41: {  	[sflag:s0] =	ssyncadd.s32 @!p0 s1  }
0x42: {  	[bflag:$0x3] =	sbarrier.arrive $0xFFFF  }
0x43: {  	_ =	shalt  }

</sc_bundles>
